<compile_context>
chip_gen: v7x
topology: tpu7x:2x2x1
jax: 0.10.2.dev20260603
libtpu: 0.0.44.dev20260713+nightly
codegen_flags: <defaults>
</compile_context>

<pallas_src>
import functools

import jax
import jax.numpy as jnp
import numpy as np
from jax import lax
from jax.experimental import pallas as pl
from jax.experimental.pallas import tpu as pltpu
from jax.experimental.pallas import tpu_sc as plsc

N = 2560
E = 163840
NH = 4
HD = 64
D = NH * HD

NC = 2
NS = 16
NW = NC * NS
ROWS_PER_W = N // NW
SC_PASSES = 2
ROWS_PER_PASS = ROWS_PER_W // SC_PASSES
CHUNK = 4096
NCHUNK = E // CHUNK


UNROLL = 8


def _count_body(src_hbm, dst_hbm, c_hbm, src_v, dst_v, cnt_v, sems, semd):
    wid = lax.axis_index("s") * NC + lax.axis_index("c")
    ones = jnp.ones((16,), jnp.float32)
    zeros16 = jnp.zeros((16,), jnp.float32)

    def start(ci, b):
        pltpu.async_copy(src_hbm.at[pl.ds(ci * CHUNK, CHUNK)],
                         src_v.at[b], sems.at[b])
        pltpu.async_copy(dst_hbm.at[pl.ds(ci * CHUNK, CHUNK)],
                         dst_v.at[b], semd.at[b])

    def wait(b):
        pltpu.make_async_copy(src_hbm.at[pl.ds(0, CHUNK)],
                              src_v.at[b], sems.at[b]).wait()
        pltpu.make_async_copy(dst_hbm.at[pl.ds(0, CHUNK)],
                              dst_v.at[b], semd.at[b]).wait()

    for p in range(SC_PASSES):
        row_base = wid * ROWS_PER_W + p * ROWS_PER_PASS

        @plsc.parallel_loop(0, ROWS_PER_PASS * N // 16, step=1, unroll=UNROLL)
        def _(i):
            cnt_v[pl.ds(i * 16, 16)] = zeros16

        start(0, 0)
        start(1, 1)

        def chunk_pair(ci, carry):
            for b in range(2):
                wait(b)

                @plsc.parallel_loop(0, CHUNK // 16, step=1, unroll=UNROLL)
                def _(i):
                    s = src_v[b, pl.ds(i * 16, 16)]
                    d = dst_v[b, pl.ds(i * 16, 16)]
                    r = d - row_base
                    m = (r >= 0) & (r < ROWS_PER_PASS)
                    fl = jnp.where(m, r * N + s, 0)
                    plsc.addupdate_scatter(cnt_v, [fl], ones, mask=m)

                @pl.when(ci + 2 + b < NCHUNK)
                def _():
                    start(ci + 2 + b, b)
            return carry

        lax.fori_loop(0, NCHUNK // 2, lambda i, c: chunk_pair(i * 2, c), 0)
        pltpu.sync_copy(
            cnt_v, c_hbm.at[pl.ds(row_base * N, ROWS_PER_PASS * N)])


def _build_counts(src, dst):
    mesh = plsc.VectorSubcoreMesh(
        core_axis_name="c", subcore_axis_name="s",
        num_cores=NC, num_subcores=NS)
    kern = pl.kernel(
        _count_body,
        out_type=jax.ShapeDtypeStruct((N * N,), jnp.float32),
        mesh=mesh,
        scratch_types=[
            pltpu.VMEM((2, CHUNK), jnp.int32),
            pltpu.VMEM((2, CHUNK), jnp.int32),
            pltpu.VMEM((ROWS_PER_PASS * N,), jnp.float32),
            pltpu.SemaphoreType.DMA((2,)),
            pltpu.SemaphoreType.DMA((2,)),
        ],
        compiler_params=pltpu.CompilerParams(needs_layout_passes=False),
    )
    return kern(src, dst).reshape(N, N)


def _prep1_body(x_ref, w_ref, amat_ref, h_ref, sc_ref):
    h = jnp.dot(x_ref[...], w_ref[...], preferred_element_type=jnp.float32)
    h_ref[...] = h
    sc_ref[...] = jnp.dot(h, amat_ref[...], preferred_element_type=jnp.float32,
                          precision=lax.Precision.HIGHEST)


def _prep_bn_body(raw_ref, g_ref, be_ref, w_ref, amat_ref, h_ref, sc_ref):
    r = raw_ref[...]
    m = jnp.mean(r, axis=0, keepdims=True)
    v = jnp.mean((r - m) * (r - m), axis=0, keepdims=True)
    xn = (r - m) * lax.rsqrt(v + 1e-5) * g_ref[...] + be_ref[...]
    xn = jnp.maximum(xn, 0.0)
    h = jnp.dot(xn, w_ref[...], preferred_element_type=jnp.float32)
    h_ref[...] = h
    sc_ref[...] = jnp.dot(h, amat_ref[...], preferred_element_type=jnp.float32,
                          precision=lax.Precision.HIGHEST)


def _prep(x, w, amat, g=None, be=None):
    n, f = x.shape
    body = _prep1_body if g is None else _prep_bn_body
    args = (x, w, amat) if g is None else (x, g.reshape(1, D), be.reshape(1, D), w, amat)
    return pl.pallas_call(
        body,
        out_shape=(jax.ShapeDtypeStruct((n, D), jnp.float32),
                   jax.ShapeDtypeStruct((n, 2 * NH), jnp.float32)),
    )(*args)


TD = 512


def _att_body(c_ref, sct_ref, sc_ref, h_ref, b_ref, out_ref):
    i = pl.program_id(0)
    cmat = c_ref[...]
    cols = []
    for hd in range(NH):
        arow = sct_ref[hd:hd + 1, :]
        acol = sc_ref[pl.ds(i * TD, TD), NH + hd:NH + hd + 1]
        mxs = jnp.max(arow, axis=1, keepdims=True)
        al = arow + acol
        al = jnp.where(al >= 0.0, al, 0.2 * al)
        amax = mxs + acol
        amax = jnp.where(amax >= 0.0, amax, 0.2 * amax)
        ex = cmat * jnp.exp(al - amax)
        denom = jnp.sum(ex, axis=1, keepdims=True)
        hf = h_ref[:, hd * HD:(hd + 1) * HD]
        hh = hf.astype(jnp.bfloat16)
        hl = (hf - hh.astype(jnp.float32)).astype(jnp.bfloat16)
        a16 = ex.astype(jnp.bfloat16)
        b16 = (ex - a16.astype(jnp.float32)).astype(jnp.bfloat16)
        num = (jnp.dot(a16, hh, preferred_element_type=jnp.float32)
               + jnp.dot(b16, hh, preferred_element_type=jnp.float32)
               + jnp.dot(a16, hl, preferred_element_type=jnp.float32))
        cols.append(num / (denom + 1e-16))
    out_ref[...] = jnp.concatenate(cols, axis=1) + b_ref[...]


def _attention(c, sct, sc, h, b):
    b = b.reshape(1, D)
    grid = (N // TD,)
    return pl.pallas_call(
        _att_body,
        grid=grid,
        in_specs=[
            pl.BlockSpec((TD, N), lambda i: (i, 0)),
            pl.BlockSpec((8, N), lambda i: (0, 0)),
            pl.BlockSpec((N, 2 * NH), lambda i: (0, 0)),
            pl.BlockSpec((N, D), lambda i: (0, 0)),
            pl.BlockSpec((1, D), lambda i: (0, 0)),
        ],
        out_specs=pl.BlockSpec((TD, D), lambda i: (i, 0)),
        out_shape=jax.ShapeDtypeStruct((N, D), jnp.float32),
    )(c, sct, sc, h, b)


def _final_body(raw_ref, g_ref, be_ref, wfc_ref, bfc_ref, mask_ref,
                tri_ref, adj_ref, sel_ref, selo_ref, out_ref):
    r = raw_ref[...]
    m = jnp.mean(r, axis=0, keepdims=True)
    v = jnp.mean((r - m) * (r - m), axis=0, keepdims=True)
    xn = (r - m) * lax.rsqrt(v + 1e-5) * g_ref[...] + be_ref[...]
    xn = jnp.maximum(xn, 0.0)
    t = jnp.dot(xn, wfc_ref[...], preferred_element_type=jnp.float32)
    t = (t + bfc_ref[...]) * mask_ref[...]
    tri = tri_ref[...]
    adj = adj_ref[...]
    a = [jnp.dot(t, sel_ref[k], preferred_element_type=jnp.float32) * tri
         for k in range(3)]
    mx = jnp.maximum(jnp.maximum(a[0], a[1]), a[2])
    e = [jnp.exp(ak - mx) for ak in a]
    s = e[0] + e[1] + e[2]
    p0 = jnp.where(adj == 0.0, 0.0, e[0] / s)
    p1 = e[1] / s
    p2 = jnp.where(adj == 1.0, 0.0, e[2] / s)
    tot = p0 + p1 + p2
    out = (jnp.dot(p0 / tot, selo_ref[0], preferred_element_type=jnp.float32)
           + jnp.dot(p1 / tot, selo_ref[1], preferred_element_type=jnp.float32)
           + jnp.dot(p2 / tot, selo_ref[2], preferred_element_type=jnp.float32))
    out_ref[...] = out


def _final(raw, g, be, wfc_p, bfc_p, mask2, tri_r, adj_r, sel, selo):
    return pl.pallas_call(
        _final_body,
        out_shape=jax.ShapeDtypeStruct((N, 128), jnp.float32),
    )(raw, g.reshape(1, D), be.reshape(1, D), wfc_p, bfc_p, mask2,
      tri_r, adj_r, sel, selo)


def _amat(a_src, a_dst):
    eye = jnp.eye(NH, dtype=jnp.float32)
    blk_s = jnp.einsum("hc,hk->hck", a_src.reshape(NH, HD), eye).reshape(D, NH)
    blk_d = jnp.einsum("hc,hk->hck", a_dst.reshape(NH, HD), eye).reshape(D, NH)
    return jnp.concatenate([blk_s, blk_d], axis=1)


def kernel(x, edge_index, pos, mask, adjacency, tri, W1, as1, ad1, b1, g1, be1,
           W2, as2, ad2, b2, g2, be2, W3, as3, ad3, b3, g3, be3, Wfc, bfc):
    src = edge_index[0]
    dst = edge_index[1]
    c = _build_counts(src, dst)

    sel_np = np.zeros((3, 128, 40), np.float32)
    for k in range(3):
        sel_np[k, np.arange(40) * 3 + k, np.arange(40)] = 1.0
    sel = jnp.asarray(sel_np)
    selo = jnp.asarray(np.transpose(sel_np, (0, 2, 1)))

    wfc_p = jnp.zeros((D, 128), jnp.float32).at[:, :120].set(Wfc)
    bfc_p = jnp.zeros((1, 128), jnp.float32).at[:, :120].set(bfc)
    mask2 = mask.reshape(N, 1)
    tri_r = tri.reshape(N, 40)
    adj_r = adjacency.astype(jnp.float32).reshape(N, 40)

    h, sc = _prep(x, W1, _amat(as1, ad1))
    sct = jnp.zeros((8, N), jnp.float32).at[:4, :].set(sc[:, :4].T)
    raw = _attention(c, sct, sc, h, b1)
    h, sc = _prep(raw, W2, _amat(as2, ad2), g1, be1)
    sct = jnp.zeros((8, N), jnp.float32).at[:4, :].set(sc[:, :4].T)
    raw = _attention(c, sct, sc, h, b2)
    h, sc = _prep(raw, W3, _amat(as3, ad3), g2, be2)
    sct = jnp.zeros((8, N), jnp.float32).at[:4, :].set(sc[:, :4].T)
    raw = _attention(c, sct, sc, h, b3)
    out = _final(raw, g3, be3, wfc_p, bfc_p, mask2, tri_r, adj_r, sel, selo)
    return out[:, :120].reshape(64, 40, 40, 3)

# --- scband reference (transcript-rebuilt; emitter-appended) ---
"""Pipeline reference for scband-edge-model-pos-2-83141976916263 (READ-ONLY COPY).

The authoritative reference and input builder live on the scoring server;
editing this copy changes nothing except your own understanding.
"""

import jax, jax.numpy as jnp
import numpy as np

H = 4

def gat(x, edge_index, W, a_src, a_dst, b, C):
    N = x.shape[0]
    src = edge_index[0]
    dst = edge_index[1]
    h = (x @ W).reshape(N, H, C)
    asrc = (h * a_src).sum(-1)
    adst = (h * a_dst).sum(-1)
    alpha = asrc[src] + adst[dst]
    alpha = jax.nn.leaky_relu(alpha, 0.2)
    amax = jax.ops.segment_max(alpha, dst, num_segments=N)
    amax = jnp.where(jnp.isfinite(amax), amax, 0.0)
    ex = jnp.exp(alpha - amax[dst])
    denom = jax.ops.segment_sum(ex, dst, num_segments=N)
    att = ex / (denom[dst] + 1e-16)
    out = jax.ops.segment_sum(h[src] * att[:, :, None], dst, num_segments=N)
    return out.reshape(N, H * C) + b

def bn(x, g, b):
    m = x.mean(0)
    v = x.var(0)
    return (x - m) / jnp.sqrt(v + 1e-5) * g + b

def setup_inputs(seed: int = 0):
    key = jax.random.key(seed)
    ks = jax.random.split(key, 24)
    N = 2560
    E = 163840
    Fin = 128
    D = 256
    inp = {}
    inp['x'] = jax.random.normal(ks[0], (N, Fin), jnp.float32)
    inp['edge_index'] = jax.random.randint(ks[1], (2, E), 0, N)
    inp['pos'] = jax.random.normal(ks[2], (N, 3), jnp.float32)
    inp['mask'] = jnp.ones((N,), jnp.float32)
    inp['adjacency'] = jax.random.randint(ks[3], (64 * 40 * 40,), 0, 2)
    inp['tri'] = jnp.ones((64 * 40 * 40,), jnp.float32)
    s = 0.1
    inp['W1'] = jax.random.normal(ks[4], (Fin, D), jnp.float32) * s
    inp['as1'] = jax.random.normal(ks[5], (1, 4, 64), jnp.float32) * s
    inp['ad1'] = jax.random.normal(ks[6], (1, 4, 64), jnp.float32) * s
    inp['b1'] = jnp.zeros((D,), jnp.float32)
    inp['g1'] = jnp.ones((D,), jnp.float32)
    inp['be1'] = jnp.zeros((D,), jnp.float32)
    inp['W2'] = jax.random.normal(ks[7], (D, D), jnp.float32) * s
    inp['as2'] = jax.random.normal(ks[8], (1, 4, 64), jnp.float32) * s
    inp['ad2'] = jax.random.normal(ks[9], (1, 4, 64), jnp.float32) * s
    inp['b2'] = jnp.zeros((D,), jnp.float32)
    inp['g2'] = jnp.ones((D,), jnp.float32)
    inp['be2'] = jnp.zeros((D,), jnp.float32)
    inp['W3'] = jax.random.normal(ks[10], (D, D), jnp.float32) * s
    inp['as3'] = jax.random.normal(ks[11], (1, 4, 64), jnp.float32) * s
    inp['ad3'] = jax.random.normal(ks[12], (1, 4, 64), jnp.float32) * s
    inp['b3'] = jnp.zeros((D,), jnp.float32)
    inp['g3'] = jnp.ones((D,), jnp.float32)
    inp['be3'] = jnp.zeros((D,), jnp.float32)
    inp['Wfc'] = jax.random.normal(ks[13], (D, 120), jnp.float32) * s
    inp['bfc'] = jnp.zeros((120,), jnp.float32)
    return inp

def reference(x, edge_index, pos, mask, adjacency, tri, W1, as1, ad1, b1, g1, be1, W2, as2, ad2, b2, g2, be2, W3, as3, ad3, b3, g3, be3, Wfc, bfc):
    row = edge_index[0]
    col = edge_index[1]
    # edge_weight computed as in torch forward; PyG GATConv with edge_dim=None ignores it
    edge_weight = 1.0 / (jnp.linalg.norm(pos[row] - pos[col], axis=1) + 1e-06)
    h = gat(x, edge_index, W1, as1, ad1, b1, 64)
    h = jax.nn.relu(bn(h, g1, be1))
    h = gat(h, edge_index, W2, as2, ad2, b2, 64)
    h = jax.nn.relu(bn(h, g2, be2))
    h = gat(h, edge_index, W3, as3, ad3, b3, 64)
    h = jax.nn.relu(bn(h, g3, be3))
    out = h @ Wfc + bfc
    out = out * mask[:, None]
    out = out.reshape(64, 40, 40, 3)
    trir = tri.reshape(64, 40, 40)[..., None]
    out = out * trir
    out = jax.nn.softmax(out, axis=-1)
    adj = adjacency.reshape(64, 40, 40)
    o0 = jnp.where(adj == 0, jnp.zeros_like(out[..., 0]), out[..., 0])
    o2 = jnp.where(adj == 1, jnp.zeros_like(out[..., 2]), out[..., 2])
    out_new = jnp.stack([o0, out[..., 1], o2], axis=-1)
    out_new = out_new / out_new.sum(axis=-1, keepdims=True)
    return out_new

if __name__ == "__main__":
    import jax
    _d = setup_inputs()
    print(jax.jit(kernel)(*tuple(_d.values())))

</pallas_src>

<mosaic_0001>
#map = affine_map<(d0, d1) -> (0)>
module attributes {stable_mosaic.version = 14 : i64} {
  func.func @_count_body(%arg0: i32, %arg1: i32, %arg2: memref<163840xi32, #tpu.memory_space<hbm>>, %arg3: memref<163840xi32, #tpu.memory_space<hbm>>, %arg4: memref<6553600xf32, #tpu.memory_space<hbm>>, %arg5: memref<2x4096xi32, #tpu.memory_space<vmem>>, %arg6: memref<2x4096xi32, #tpu.memory_space<vmem>>, %arg7: memref<102400xf32, #tpu.memory_space<vmem>>, %arg8: memref<2x!tpu.dma_semaphore, #tpu.memory_space<semaphore_mem>>, %arg9: memref<2x!tpu.dma_semaphore, #tpu.memory_space<semaphore_mem>>) attributes {dimension_semantics = [#tpu.dimension_semantics<core_parallel>, #tpu.dimension_semantics<subcore_parallel>], iteration_bounds = array<i64: 2, 16>, scalar_prefetch = 0 : i64, scratch_operands = 5 : i64, tpu.core_type = #tpu.core_type<sc_vector_subcore>, window_params = [{transform_indices = #map}, {transform_indices = #map}, {transform_indices = #map}]} {
    %mul3A = arith.constant 2 : i32
    %mul3A_0 = arith.muli %arg1, %mul3A : i32
    %add3A = arith.addi %mul3A_0, %arg0 : i32
    %broadcast_in_dim3A = arith.constant 1.000000e+00 : f32
    %broadcast_in_dim3A_1 = vector.broadcast %broadcast_in_dim3A : f32 to vector<16xf32>
    %broadcast_in_dim3A_2 = arith.constant 0.000000e+00 : f32
    %broadcast_in_dim3A_3 = vector.broadcast %broadcast_in_dim3A_2 : f32 to vector<16xf32>
    %mul3A_4 = arith.constant 80 : i32
    %mul3A_5 = arith.muli %add3A, %mul3A_4 : i32
    %add3A_6 = arith.constant 0 : i32
    %add3A_7 = arith.addi %mul3A_5, %add3A_6 : i32
    %parallel_loop3A = arith.constant 0 : i32
    %parallel_loop3A_8 = arith.constant 6400 : i32
    %parallel_loop3A_9 = arith.constant 1 : i32
    scf.for %parallel_loop3A_143 = %parallel_loop3A to %parallel_loop3A_8 step %parallel_loop3A_9  : i32 {
      %parallel_loop3A_144 = arith.constant 16 : i32
      %parallel_loop3A_145 = arith.muli %parallel_loop3A_143, %parallel_loop3A_144 : i32
      %parallel_loop3A_146 = arith.index_cast %parallel_loop3A_145 : i32 to index
      %parallel_loop3A_147 = tpu.vector_load %arg7[%parallel_loop3A_146] {strides = array<i32>} : memref<102400xf32, #tpu.memory_space<vmem>>, vector<16xf32>,
      tpu.vector_store %arg7[%parallel_loop3A_146], %broadcast_in_dim3A_3 {strides = array<i32>} : memref<102400xf32, #tpu.memory_space<vmem>>, vector<16xf32>,
    } {sc.loop_unroll_factor = 8 : i64, sc.parallel_access}
    %dma_start3A = arith.constant 0 : i32
    %dma_start3A_10 = arith.constant 0 : i32
    %dma_start3A_11 = arith.constant 0 : i32
    %dma_start3A_12 = tpu.memref_slice %arg5[%dma_start3A, %dma_start3A_11] : memref<2x4096xi32, #tpu.memory_space<vmem>> -> memref<1x4096xi32, #tpu.memory_space<vmem>>
    %dma_start3A_13 = tpu.memref_squeeze %dma_start3A_12 : memref<1x4096xi32, #tpu.memory_space<vmem>> -> memref<4096xi32, #tpu.memory_space<vmem>>
    %dma_start3A_14 = arith.constant 0 : i32
    %dma_start3A_15 = tpu.memref_slice %arg2[%dma_start3A_14] : memref<163840xi32, #tpu.memory_space<hbm>> -> memref<4096xi32, #tpu.memory_space<hbm>>
    %dma_start3A_16 = tpu.memref_slice %arg8[%dma_start3A_10] : memref<2x!tpu.dma_semaphore, #tpu.memory_space<semaphore_mem>> -> memref<1x!tpu.dma_semaphore, #tpu.memory_space<semaphore_mem>>
    %dma_start3A_17 = tpu.memref_squeeze %dma_start3A_16 : memref<1x!tpu.dma_semaphore, #tpu.memory_space<semaphore_mem>> -> memref<!tpu.dma_semaphore, #tpu.memory_space<semaphore_mem>>
    %dma_start3A_18 = arith.constant 0 : i32
    %dma_start3A_19 = tpu.memref_slice %arg5[%dma_start3A, %dma_start3A_18] : memref<2x4096xi32, #tpu.memory_space<vmem>> -> memref<1x4096xi32, #tpu.memory_space<vmem>>
    %dma_start3A_20 = tpu.memref_squeeze %dma_start3A_19 : memref<1x4096xi32, #tpu.memory_space<vmem>> -> memref<4096xi32, #tpu.memory_space<vmem>>
    %dma_start3A_21 = arith.constant 0 : i32
    %dma_start3A_22 = tpu.memref_slice %arg2[%dma_start3A_21] : memref<163840xi32, #tpu.memory_space<hbm>> -> memref<4096xi32, #tpu.memory_space<hbm>>
    tpu.enqueue_dma source(%dma_start3A_22 : memref<4096xi32, #tpu.memory_space<hbm>>) target(%dma_start3A_20 : memref<4096xi32, #tpu.memory_space<vmem>>) target_semaphore(%dma_start3A_17 : memref<!tpu.dma_semaphore, #tpu.memory_space<semaphore_mem>>)
    %dma_start3A_23 = arith.constant 0 : i32
    %dma_start3A_24 = arith.constant 0 : i32
    %dma_start3A_25 = arith.constant 0 : i32
    %dma_start3A_26 = tpu.memref_slice %arg6[%dma_start3A_23, %dma_start3A_25] : memref<2x4096xi32, #tpu.memory_space<vmem>> -> memref<1x4096xi32, #tpu.memory_space<vmem>>
    %dma_start3A_27 = tpu.memref_squeeze %dma_start3A_26 : memref<1x4096xi32, #tpu.memory_space<vmem>> -> memref<4096xi32, #tpu.memory_space<vmem>>
    %dma_start3A_28 = arith.constant 0 : i32
    %dma_start3A_29 = tpu.memref_slice %arg3[%dma_start3A_28] : memref<163840xi32, #tpu.memory_space<hbm>> -> memref<4096xi32, #tpu.memory_space<hbm>>
    %dma_start3A_30 = tpu.memref_slice %arg9[%dma_start3A_24] : memref<2x!tpu.dma_semaphore, #tpu.memory_space<semaphore_mem>> -> memref<1x!tpu.dma_semaphore, #tpu.memory_space<semaphore_mem>>
    %dma_start3A_31 = tpu.memref_squeeze %dma_start3A_30 : memref<1x!tpu.dma_semaphore, #tpu.memory_space<semaphore_mem>> -> memref<!tpu.dma_semaphore, #tpu.memory_space<semaphore_mem>>
    %dma_start3A_32 = arith.constant 0 : i32
    %dma_start3A_33 = tpu.memref_slice %arg6[%dma_start3A_23, %dma_start3A_32] : memref<2x4096xi32, #tpu.memory_space<vmem>> -> memref<1x4096xi32, #tpu.memory_space<vmem>>
    %dma_start3A_34 = tpu.memref_squeeze %dma_start3A_33 : memref<1x4096xi32, #tpu.memory_space<vmem>> -> memref<4096xi32, #tpu.memory_space<vmem>>
    %dma_start3A_35 = arith.constant 0 : i32
    %dma_start3A_36 = tpu.memref_slice %arg3[%dma_start3A_35] : memref<163840xi32, #tpu.memory_space<hbm>> -> memref<4096xi32, #tpu.memory_space<hbm>>
    tpu.enqueue_dma source(%dma_start3A_36 : memref<4096xi32, #tpu.memory_space<hbm>>) target(%dma_start3A_34 : memref<4096xi32, #tpu.memory_space<vmem>>) target_semaphore(%dma_start3A_31 : memref<!tpu.dma_semaphore, #tpu.memory_space<semaphore_mem>>)
    %dma_start3A_37 = arith.constant 1 : i32
    %dma_start3A_38 = arith.constant 1 : i32
    %dma_start3A_39 = arith.constant 0 : i32
    %dma_start3A_40 = tpu.memref_slice %arg5[%dma_start3A_37, %dma_start3A_39] : memref<2x4096xi32, #tpu.memory_space<vmem>> -> memref<1x4096xi32, #tpu.memory_space<vmem>>
    %dma_start3A_41 = tpu.memref_squeeze %dma_start3A_40 : memref<1x4096xi32, #tpu.memory_space<vmem>> -> memref<4096xi32, #tpu.memory_space<vmem>>
    %dma_start3A_42 = arith.constant 4096 : i32
    %dma_start3A_43 = tpu.memref_slice %arg2[%dma_start3A_42] : memref<163840xi32, #tpu.memory_space<hbm>> -> memref<4096xi32, #tpu.memory_space<hbm>>
    %dma_start3A_44 = tpu.memref_slice %arg8[%dma_start3A_38] : memref<2x!tpu.dma_semaphore, #tpu.memory_space<semaphore_mem>> -> memref<1x!tpu.dma_semaphore, #tpu.memory_space<semaphore_mem>>
    %dma_start3A_45 = tpu.memref_squeeze %dma_start3A_44 : memref<1x!tpu.dma_semaphore, #tpu.memory_space<semaphore_mem>> -> memref<!tpu.dma_semaphore, #tpu.memory_space<semaphore_mem>>
    %dma_start3A_46 = arith.constant 0 : i32
    %dma_start3A_47 = tpu.memref_slice %arg5[%dma_start3A_37, %dma_start3A_46] : memref<2x4096xi32, #tpu.memory_space<vmem>> -> memref<1x4096xi32, #tpu.memory_space<vmem>>
    %dma_start3A_48 = tpu.memref_squeeze %dma_start3A_47 : memref<1x4096xi32, #tpu.memory_space<vmem>> -> memref<4096xi32, #tpu.memory_space<vmem>>
    %dma_start3A_49 = arith.constant 4096 : i32
    %dma_start3A_50 = tpu.memref_slice %arg2[%dma_start3A_49] : memref<163840xi32, #tpu.memory_space<hbm>> -> memref<4096xi32, #tpu.memory_space<hbm>>
    tpu.enqueue_dma source(%dma_start3A_50 : memref<4096xi32, #tpu.memory_space<hbm>>) target(%dma_start3A_48 : memref<4096xi32, #tpu.memory_space<vmem>>) target_semaphore(%dma_start3A_45 : memref<!tpu.dma_semaphore, #tpu.memory_space<semaphore_mem>>)
    %dma_start3A_51 = arith.constant 1 : i32
    %dma_start3A_52 = arith.constant 1 : i32
    %dma_start3A_53 = arith.constant 0 : i32
    %dma_start3A_54 = tpu.memref_slice %arg6[%dma_start3A_51, %dma_start3A_53] : memref<2x4096xi32, #tpu.memory_space<vmem>> -> memref<1x4096xi32, #tpu.memory_space<vmem>>
    %dma_start3A_55 = tpu.memref_squeeze %dma_start3A_54 : memref<1x4096xi32, #tpu.memory_space<vmem>> -> memref<4096xi32, #tpu.memory_space<vmem>>
    %dma_start3A_56 = arith.constant 4096 : i32
    %dma_start3A_57 = tpu.memref_slice %arg3[%dma_start3A_56] : memref<163840xi32, #tpu.memory_space<hbm>> -> memref<4096xi32, #tpu.memory_space<hbm>>
    %dma_start3A_58 = tpu.memref_slice %arg9[%dma_start3A_52] : memref<2x!tpu.dma_semaphore, #tpu.memory_space<semaphore_mem>> -> memref<1x!tpu.dma_semaphore, #tpu.memory_space<semaphore_mem>>
    %dma_start3A_59 = tpu.memref_squeeze %dma_start3A_58 : memref<1x!tpu.dma_semaphore, #tpu.memory_space<semaphore_mem>> -> memref<!tpu.dma_semaphore, #tpu.memory_space<semaphore_mem>>
    %dma_start3A_60 = arith.constant 0 : i32
    %dma_start3A_61 = tpu.memref_slice %arg6[%dma_start3A_51, %dma_start3A_60] : memref<2x4096xi32, #tpu.memory_space<vmem>> -> memref<1x4096xi32, #tpu.memory_space<vmem>>
    %dma_start3A_62 = tpu.memref_squeeze %dma_start3A_61 : memref<1x4096xi32, #tpu.memory_space<vmem>> -> memref<4096xi32, #tpu.memory_space<vmem>>
    %dma_start3A_63 = arith.constant 4096 : i32
    %dma_start3A_64 = tpu.memref_slice %arg3[%dma_start3A_63] : memref<163840xi32, #tpu.memory_space<hbm>> -> memref<4096xi32, #tpu.memory_space<hbm>>
    tpu.enqueue_dma source(%dma_start3A_64 : memref<4096xi32, #tpu.memory_space<hbm>>) target(%dma_start3A_62 : memref<4096xi32, #tpu.memory_space<vmem>>) target_semaphore(%dma_start3A_59 : memref<!tpu.dma_semaphore, #tpu.memory_space<semaphore_mem>>)
    %scan3A = arith.constant 0 : i32
    %scan3A_65 = arith.constant 0 : i32
    %scan3A_66 = arith.constant 20 : i32
    %scan3A_67 = arith.addi %scan3A_65, %scan3A_66 : i32
    %scan3A_68 = arith.constant 1 : i32
    scf.for %scan3A_143 = %scan3A_65 to %scan3A_67 step %scan3A_68  : i32 {
      %mul3A_144 = arith.constant 2 : i32
      %mul3A_145 = arith.muli %scan3A_143, %mul3A_144 : i32
      %dma_wait3A = arith.constant 0 : i32
      %dma_wait3A_146 = arith.constant 0 : i32
      %dma_wait3A_147 = arith.constant 0 : i32
      %dma_wait3A_148 = tpu.memref_slice %arg5[%dma_wait3A, %dma_wait3A_147] : memref<2x4096xi32, #tpu.memory_space<vmem>> -> memref<1x4096xi32, #tpu.memory_space<vmem>>
      %dma_wait3A_149 = tpu.memref_squeeze %dma_wait3A_148 : memref<1x4096xi32, #tpu.memory_space<vmem>> -> memref<4096xi32, #tpu.memory_space<vmem>>
      %dma_wait3A_150 = arith.constant 0 : i32
      %dma_wait3A_151 = tpu.memref_slice %arg2[%dma_wait3A_150] : memref<163840xi32, #tpu.memory_space<hbm>> -> memref<4096xi32, #tpu.memory_space<hbm>>
      %dma_wait3A_152 = tpu.memref_slice %arg8[%dma_wait3A_146] : memref<2x!tpu.dma_semaphore, #tpu.memory_space<semaphore_mem>> -> memref<1x!tpu.dma_semaphore, #tpu.memory_space<semaphore_mem>>
      %dma_wait3A_153 = tpu.memref_squeeze %dma_wait3A_152 : memref<1x!tpu.dma_semaphore, #tpu.memory_space<semaphore_mem>> -> memref<!tpu.dma_semaphore, #tpu.memory_space<semaphore_mem>>
      %dma_wait3A_154 = arith.constant 0 : i32
      %dma_wait3A_155 = tpu.memref_slice %arg5[%dma_wait3A, %dma_wait3A_154] : memref<2x4096xi32, #tpu.memory_space<vmem>> -> memref<1x4096xi32, #tpu.memory_space<vmem>>
      %dma_wait3A_156 = tpu.memref_squeeze %dma_wait3A_155 : memref<1x4096xi32, #tpu.memory_space<vmem>> -> memref<4096xi32, #tpu.memory_space<vmem>>
      %dma_wait3A_157 = arith.constant 0 : i32
      %dma_wait3A_158 = tpu.memref_slice %arg2[%dma_wait3A_157] : memref<163840xi32, #tpu.memory_space<hbm>> -> memref<4096xi32, #tpu.memory_space<hbm>>
      tpu.wait_dma2 semaphore(%dma_wait3A_153 : memref<!tpu.dma_semaphore, #tpu.memory_space<semaphore_mem>>) src(%dma_wait3A_158 : memref<4096xi32, #tpu.memory_space<hbm>>) dst(%dma_wait3A_156 : memref<4096xi32, #tpu.memory_space<vmem>>)
      %dma_wait3A_159 = arith.constant 0 : i32
      %dma_wait3A_160 = arith.constant 0 : i32
      %dma_wait3A_161 = arith.constant 0 : i32
      %dma_wait3A_162 = tpu.memref_slice %arg6[%dma_wait3A_159, %dma_wait3A_161] : memref<2x4096xi32, #tpu.memory_space<vmem>> -> memref<1x4096xi32, #tpu.memory_space<vmem>>
      %dma_wait3A_163 = tpu.memref_squeeze %dma_wait3A_162 : memref<1x4096xi32, #tpu.memory_space<vmem>> -> memref<4096xi32, #tpu.memory_space<vmem>>
      %dma_wait3A_164 = arith.constant 0 : i32
      %dma_wait3A_165 = tpu.memref_slice %arg3[%dma_wait3A_164] : memref<163840xi32, #tpu.memory_space<hbm>> -> memref<4096xi32, #tpu.memory_space<hbm>>
      %dma_wait3A_166 = tpu.memref_slice %arg9[%dma_wait3A_160] : memref<2x!tpu.dma_semaphore, #tpu.memory_space<semaphore_mem>> -> memref<1x!tpu.dma_semaphore, #tpu.memory_space<semaphore_mem>>
      %dma_wait3A_167 = tpu.memref_squeeze %dma_wait3A_166 : memref<1x!tpu.dma_semaphore, #tpu.memory_space<semaphore_mem>> -> memref<!tpu.dma_semaphore, #tpu.memory_space<semaphore_mem>>
      %dma_wait3A_168 = arith.constant 0 : i32
      %dma_wait3A_169 = tpu.memref_slice %arg6[%dma_wait3A_159, %dma_wait3A_168] : memref<2x4096xi32, #tpu.memory_space<vmem>> -> memref<1x4096xi32, #tpu.memory_space<vmem>>
      %dma_wait3A_170 = tpu.memref_squeeze %dma_wait3A_169 : memref<1x4096xi32, #tpu.memory_space<vmem>> -> memref<4096xi32, #tpu.memory_space<vmem>>
      %dma_wait3A_171 = arith.constant 0 : i32
      %dma_wait3A_172 = tpu.memref_slice %arg3[%dma_wait3A_171] : memref<163840xi32, #tpu.memory_space<hbm>> -> memref<4096xi32, #tpu.memory_space<hbm>>
      tpu.wait_dma2 semaphore(%dma_wait3A_167 : memref<!tpu.dma_semaphore, #tpu.memory_space<semaphore_mem>>) src(%dma_wait3A_172 : memref<4096xi32, #tpu.memory_space<hbm>>) dst(%dma_wait3A_170 : memref<4096xi32, #tpu.memory_space<vmem>>)
      %parallel_loop3A_173 = arith.constant 0 : i32
      %parallel_loop3A_174 = arith.constant 256 : i32
      %parallel_loop3A_175 = arith.constant 1 : i32
      scf.for %parallel_loop3A_222 = %parallel_loop3A_173 to %parallel_loop3A_174 step %parallel_loop3A_175  : i32 {
        %parallel_loop3A_223 = arith.constant 16 : i32
        %parallel_loop3A_224 = arith.muli %parallel_loop3A_222, %parallel_loop3A_223 : i32
        %parallel_loop3A_225 = arith.constant 0 : i32
        %parallel_loop3A_226 = arith.index_cast %parallel_loop3A_225 : i32 to index
        %parallel_loop3A_227 = arith.index_cast %parallel_loop3A_224 : i32 to index
        %parallel_loop3A_228 = tpu.vector_load %arg5[%parallel_loop3A_226, %parallel_loop3A_227] {strides = array<i32>} : memref<2x4096xi32, #tpu.memory_space<vmem>>, vector<16xi32>,
        %parallel_loop3A_229 = arith.constant 16 : i32
        %parallel_loop3A_230 = arith.muli %parallel_loop3A_222, %parallel_loop3A_229 : i32
        %parallel_loop3A_231 = arith.constant 0 : i32
        %parallel_loop3A_232 = arith.index_cast %parallel_loop3A_231 : i32 to index
        %parallel_loop3A_233 = arith.index_cast %parallel_loop3A_230 : i32 to index
        %parallel_loop3A_234 = tpu.vector_load %arg6[%parallel_loop3A_232, %parallel_loop3A_233] {strides = array<i32>} : memref<2x4096xi32, #tpu.memory_space<vmem>>, vector<16xi32>,
        %parallel_loop3A_235 = vector.broadcast %add3A_7 : i32 to vector<16xi32>
        %parallel_loop3A_236 = arith.subi %parallel_loop3A_234, %parallel_loop3A_235 : vector<16xi32>
        %parallel_loop3A_237 = arith.constant 0 : i32
        %parallel_loop3A_238 = vector.broadcast %parallel_loop3A_237 : i32 to vector<16xi32>
        %parallel_loop3A_239 = arith.cmpi sge, %parallel_loop3A_236, %parallel_loop3A_238 : vector<16xi32>
        %parallel_loop3A_240 = arith.constant 40 : i32
        %parallel_loop3A_241 = vector.broadcast %parallel_loop3A_240 : i32 to vector<16xi32>
        %parallel_loop3A_242 = arith.cmpi slt, %parallel_loop3A_236, %parallel_loop3A_241 : vector<16xi32>
        %parallel_loop3A_243 = arith.andi %parallel_loop3A_239, %parallel_loop3A_242 : vector<16xi1>
        %parallel_loop3A_244 = arith.constant 2560 : i32
        %parallel_loop3A_245 = vector.broadcast %parallel_loop3A_244 : i32 to vector<16xi32>
        %parallel_loop3A_246 = arith.muli %parallel_loop3A_236, %parallel_loop3A_245 : vector<16xi32>
        %parallel_loop3A_247 = arith.addi %parallel_loop3A_246, %parallel_loop3A_228 : vector<16xi32>
        %parallel_loop3A_248 = arith.constant 0 : i32
        %parallel_loop3A_249 = vector.broadcast %parallel_loop3A_248 : i32 to vector<16xi32>
        %parallel_loop3A_250 = arith.select %parallel_loop3A_243, %parallel_loop3A_247, %parallel_loop3A_249 : vector<16xi1>, vector<16xi32>
        tpu.vector_store_idx %arg7[%parallel_loop3A_250], %broadcast_in_dim3A_1 masked %parallel_loop3A_243 {add = true} : memref<102400xf32, #tpu.memory_space<vmem>>[vector<16xi32>], vector<16xf32>, vector<16xi1>
      } {sc.loop_unroll_factor = 8 : i64, sc.parallel_access}
      %add3A_176 = arith.constant 2 : i32
      %add3A_177 = arith.addi %mul3A_145, %add3A_176 : i32
      %add3A_178 = arith.constant 0 : i32
      %add3A_179 = arith.addi %add3A_177, %add3A_178 : i32
      %lt3A = arith.constant 40 : i32
      %lt3A_180 = arith.cmpi slt, %add3A_179, %lt3A : i32
      %convert_element_type3A = arith.extui %lt3A_180 : i1 to i32
      %cond3A = arith.constant 0 : i32
      %cond3A_181 = arith.cmpi ne, %convert_element_type3A, %cond3A : i32
      scf.if %cond3A_181 {
        %add3A_222 = arith.constant 2 : i32
        %add3A_223 = arith.addi %mul3A_145, %add3A_222 : i32
        %add3A_224 = arith.constant 0 : i32
        %add3A_225 = arith.addi %add3A_223, %add3A_224 : i32
        %mul3A_226 = arith.constant 4096 : i32
        %mul3A_227 = arith.muli %add3A_225, %mul3A_226 : i32
        %dma_start3A_228 = arith.constant 0 : i32
        %dma_start3A_229 = arith.constant 0 : i32
        %dma_start3A_230 = arith.constant 0 : i32
        %dma_start3A_231 = tpu.memref_slice %arg5[%dma_start3A_228, %dma_start3A_230] : memref<2x4096xi32, #tpu.memory_space<vmem>> -> memref<1x4096xi32, #tpu.memory_space<vmem>>
        %dma_start3A_232 = tpu.memref_squeeze %dma_start3A_231 : memref<1x4096xi32, #tpu.memory_space<vmem>> -> memref<4096xi32, #tpu.memory_space<vmem>>
        %dma_start3A_233 = tpu.memref_slice %arg2[%mul3A_227] : memref<163840xi32, #tpu.memory_space<hbm>> -> memref<4096xi32, #tpu.memory_space<hbm>>
        %dma_start3A_234 = tpu.memref_slice %arg8[%dma_start3A_229] : memref<2x!tpu.dma_semaphore, #tpu.memory_space<semaphore_mem>> -> memref<1x!tpu.dma_semaphore, #tpu.memory_space<semaphore_mem>>
        %dma_start3A_235 = tpu.memref_squeeze %dma_start3A_234 : memref<1x!tpu.dma_semaphore, #tpu.memory_space<semaphore_mem>> -> memref<!tpu.dma_semaphore, #tpu.memory_space<semaphore_mem>>
        %dma_start3A_236 = arith.constant 0 : i32
        %dma_start3A_237 = tpu.memref_slice %arg5[%dma_start3A_228, %dma_start3A_236] : memref<2x4096xi32, #tpu.memory_space<vmem>> -> memref<1x4096xi32, #tpu.memory_space<vmem>>
        %dma_start3A_238 = tpu.memref_squeeze %dma_start3A_237 : memref<1x4096xi32, #tpu.memory_space<vmem>> -> memref<4096xi32, #tpu.memory_space<vmem>>
        %dma_start3A_239 = tpu.memref_slice %arg2[%mul3A_227] : memref<163840xi32, #tpu.memory_space<hbm>> -> memref<4096xi32, #tpu.memory_space<hbm>>
        tpu.enqueue_dma source(%dma_start3A_239 : memref<4096xi32, #tpu.memory_space<hbm>>) target(%dma_start3A_238 : memref<4096xi32, #tpu.memory_space<vmem>>) target_semaphore(%dma_start3A_235 : memref<!tpu.dma_semaphore, #tpu.memory_space<semaphore_mem>>)
        %mul3A_240 = arith.constant 4096 : i32
        %mul3A_241 = arith.muli %add3A_225, %mul3A_240 : i32
        %dma_start3A_242 = arith.constant 0 : i32
        %dma_start3A_243 = arith.constant 0 : i32
        %dma_start3A_244 = arith.constant 0 : i32
        %dma_start3A_245 = tpu.memref_slice %arg6[%dma_start3A_242, %dma_start3A_244] : memref<2x4096xi32, #tpu.memory_space<vmem>> -> memref<1x4096xi32, #tpu.memory_space<vmem>>
        %dma_start3A_246 = tpu.memref_squeeze %dma_start3A_245 : memref<1x4096xi32, #tpu.memory_space<vmem>> -> memref<4096xi32, #tpu.memory_space<vmem>>
        %dma_start3A_247 = tpu.memref_slice %arg3[%mul3A_241] : memref<163840xi32, #tpu.memory_space<hbm>> -> memref<4096xi32, #tpu.memory_space<hbm>>
        %dma_start3A_248 = tpu.memref_slice %arg9[%dma_start3A_243] : memref<2x!tpu.dma_semaphore, #tpu.memory_space<semaphore_mem>> -> memref<1x!tpu.dma_semaphore, #tpu.memory_space<semaphore_mem>>
        %dma_start3A_249 = tpu.memref_squeeze %dma_start3A_248 : memref<1x!tpu.dma_semaphore, #tpu.memory_space<semaphore_mem>> -> memref<!tpu.dma_semaphore, #tpu.memory_space<semaphore_mem>>
        %dma_start3A_250 = arith.constant 0 : i32
        %dma_start3A_251 = tpu.memref_slice %arg6[%dma_start3A_242, %dma_start3A_250] : memref<2x4096xi32, #tpu.memory_space<vmem>> -> memref<1x4096xi32, #tpu.memory_space<vmem>>
        %dma_start3A_252 = tpu.memref_squeeze %dma_start3A_251 : memref<1x4096xi32, #tpu.memory_space<vmem>> -> memref<4096xi32, #tpu.memory_space<vmem>>
        %dma_start3A_253 = tpu.memref_slice %arg3[%mul3A_241] : memref<163840xi32, #tpu.memory_space<hbm>> -> memref<4096xi32, #tpu.memory_space<hbm>>
        tpu.enqueue_dma source(%dma_start3A_253 : memref<4096xi32, #tpu.memory_space<hbm>>) target(%dma_start3A_252 : memref<4096xi32, #tpu.memory_space<vmem>>) target_semaphore(%dma_start3A_249 : memref<!tpu.dma_semaphore, #tpu.memory_space<semaphore_mem>>)
      } else {
      }
      %dma_wait3A_182 = arith.constant 1 : i32
      %dma_wait3A_183 = arith.constant 1 : i32
      %dma_wait3A_184 = arith.constant 0 : i32
      %dma_wait3A_185 = tpu.memref_slice %arg5[%dma_wait3A_182, %dma_wait3A_184] : memref<2x4096xi32, #tpu.memory_space<vmem>> -> memref<1x4096xi32, #tpu.memory_space<vmem>>
      %dma_wait3A_186 = tpu.memref_squeeze %dma_wait3A_185 : memref<1x4096xi32, #tpu.memory_space<vmem>> -> memref<4096xi32, #tpu.memory_space<vmem>>
      %dma_wait3A_187 = arith.constant 0 : i32
      %dma_wait3A_188 = tpu.memref_slice %arg2[%dma_wait3A_187] : memref<163840xi32, #tpu.memory_space<hbm>> -> memref<4096xi32, #tpu.memory_space<hbm>>
      %dma_wait3A_189 = tpu.memref_slice %arg8[%dma_wait3A_183] : memref<2x!tpu.dma_semaphore, #tpu.memory_space<semaphore_mem>> -> memref<1x!tpu.dma_semaphore, #tpu.memory_space<semaphore_mem>>
      %dma_wait3A_190 = tpu.memref_squeeze %dma_wait3A_189 : memref<1x!tpu.dma_semaphore, #tpu.memory_space<semaphore_mem>> -> memref<!tpu.dma_semaphore, #tpu.memory_space<semaphore_mem>>
      %dma_wait3A_191 = arith.constant 0 : i32
      %dma_wait3A_192 = tpu.memref_slice %arg5[%dma_wait3A_182, %dma_wait3A_191] : memref<2x4096xi32, #tpu.memory_space<vmem>> -> memref<1x4096xi32, #tpu.memory_space<vmem>>
      %dma_wait3A_193 = tpu.memref_squeeze %dma_wait3A_192 : memref<1x4096xi32, #tpu.memory_space<vmem>> -> memref<4096xi32, #tpu.memory_space<vmem>>
      %dma_wait3A_194 = arith.constant 0 : i32
      %dma_wait3A_195 = tpu.memref_slice %arg2[%dma_wait3A_194] : memref<163840xi32, #tpu.memory_space<hbm>> -> memref<4096xi32, #tpu.memory_space<hbm>>
      tpu.wait_dma2 semaphore(%dma_wait3A_190 : memref<!tpu.dma_semaphore, #tpu.memory_space<semaphore_mem>>) src(%dma_wait3A_195 : memref<4096xi32, #tpu.memory_space<hbm>>) dst(%dma_wait3A_193 : memref<4096xi32, #tpu.memory_space<vmem>>)
      %dma_wait3A_196 = arith.constant 1 : i32
      %dma_wait3A_197 = arith.constant 1 : i32
      %dma_wait3A_198 = arith.constant 0 : i32
      %dma_wait3A_199 = tpu.memref_slice %arg6[%dma_wait3A_196, %dma_wait3A_198] : memref<2x4096xi32, #tpu.memory_space<vmem>> -> memref<1x4096xi32, #tpu.memory_space<vmem>>
      %dma_wait3A_200 = tpu.memref_squeeze %dma_wait3A_199 : memref<1x4096xi32, #tpu.memory_space<vmem>> -> memref<4096xi32, #tpu.memory_space<vmem>>
      %dma_wait3A_201 = arith.constant 0 : i32
      %dma_wait3A_202 = tpu.memref_slice %arg3[%dma_wait3A_201] : memref<163840xi32, #tpu.memory_space<hbm>> -> memref<4096xi32, #tpu.memory_space<hbm>>
      %dma_wait3A_203 = tpu.memref_slice %arg9[%dma_wait3A_197] : memref<2x!tpu.dma_semaphore, #tpu.memory_space<semaphore_mem>> -> memref<1x!tpu.dma_semaphore, #tpu.memory_space<semaphore_mem>>
      %dma_wait3A_204 = tpu.memref_squeeze %dma_wait3A_203 : memref<1x!tpu.dma_semaphore, #tpu.memory_space<semaphore_mem>> -> memref<!tpu.dma_semaphore, #tpu.memory_space<semaphore_mem>>
      %dma_wait3A_205 = arith.constant 0 : i32
      %dma_wait3A_206 = tpu.memref_slice %arg6[%dma_wait3A_196, %dma_wait3A_205] : memref<2x4096xi32, #tpu.memory_space<vmem>> -> memref<1x4096xi32, #tpu.memory_space<vmem>>
      %dma_wait3A_207 = tpu.memref_squeeze %dma_wait3A_206 : memref<1x4096xi32, #tpu.memory_space<vmem>> -> memref<4096xi32, #tpu.memory_space<vmem>>
      %dma_wait3A_208 = arith.constant 0 : i32
      %dma_wait3A_209 = tpu.memref_slice %arg3[%dma_wait3A_208] : memref<163840xi32, #tpu.memory_space<hbm>> -> memref<4096xi32, #tpu.memory_space<hbm>>
      tpu.wait_dma2 semaphore(%dma_wait3A_204 : memref<!tpu.dma_semaphore, #tpu.memory_space<semaphore_mem>>) src(%dma_wait3A_209 : memref<4096xi32, #tpu.memory_space<hbm>>) dst(%dma_wait3A_207 : memref<4096xi32, #tpu.memory_space<vmem>>)
      %parallel_loop3A_210 = arith.constant 0 : i32
      %parallel_loop3A_211 = arith.constant 256 : i32
      %parallel_loop3A_212 = arith.constant 1 : i32
      scf.for %parallel_loop3A_222 = %parallel_loop3A_210 to %parallel_loop3A_211 step %parallel_loop3A_212  : i32 {
        %parallel_loop3A_223 = arith.constant 16 : i32
        %parallel_loop3A_224 = arith.muli %parallel_loop3A_222, %parallel_loop3A_223 : i32
        %parallel_loop3A_225 = arith.constant 1 : i32
        %parallel_loop3A_226 = arith.index_cast %parallel_loop3A_225 : i32 to index
        %parallel_loop3A_227 = arith.index_cast %parallel_loop3A_224 : i32 to index
        %parallel_loop3A_228 = tpu.vector_load %arg5[%parallel_loop3A_226, %parallel_loop3A_227] {strides = array<i32>} : memref<2x4096xi32, #tpu.memory_space<vmem>>, vector<16xi32>,
        %parallel_loop3A_229 = arith.constant 16 : i32
        %parallel_loop3A_230 = arith.muli %parallel_loop3A_222, %parallel_loop3A_229 : i32
        %parallel_loop3A_231 = arith.constant 1 : i32
        %parallel_loop3A_232 = arith.index_cast %parallel_loop3A_231 : i32 to index
        %parallel_loop3A_233 = arith.index_cast %parallel_loop3A_230 : i32 to index
        %parallel_loop3A_234 = tpu.vector_load %arg6[%parallel_loop3A_232, %parallel_loop3A_233] {strides = array<i32>} : memref<2x4096xi32, #tpu.memory_space<vmem>>, vector<16xi32>,
        %parallel_loop3A_235 = vector.broadcast %add3A_7 : i32 to vector<16xi32>
        %parallel_loop3A_236 = arith.subi %parallel_loop3A_234, %parallel_loop3A_235 : vector<16xi32>
        %parallel_loop3A_237 = arith.constant 0 : i32
        %parallel_loop3A_238 = vector.broadcast %parallel_loop3A_237 : i32 to vector<16xi32>
        %parallel_loop3A_239 = arith.cmpi sge, %parallel_loop3A_236, %parallel_loop3A_238 : vector<16xi32>
        %parallel_loop3A_240 = arith.constant 40 : i32
        %parallel_loop3A_241 = vector.broadcast %parallel_loop3A_240 : i32 to vector<16xi32>
        %parallel_loop3A_242 = arith.cmpi slt, %parallel_loop3A_236, %parallel_loop3A_241 : vector<16xi32>
        %parallel_loop3A_243 = arith.andi %parallel_loop3A_239, %parallel_loop3A_242 : vector<16xi1>
        %parallel_loop3A_244 = arith.constant 2560 : i32
        %parallel_loop3A_245 = vector.broadcast %parallel_loop3A_244 : i32 to vector<16xi32>
        %parallel_loop3A_246 = arith.muli %parallel_loop3A_236, %parallel_loop3A_245 : vector<16xi32>
        %parallel_loop3A_247 = arith.addi %parallel_loop3A_246, %parallel_loop3A_228 : vector<16xi32>
        %parallel_loop3A_248 = arith.constant 0 : i32
        %parallel_loop3A_249 = vector.broadcast %parallel_loop3A_248 : i32 to vector<16xi32>
        %parallel_loop3A_250 = arith.select %parallel_loop3A_243, %parallel_loop3A_247, %parallel_loop3A_249 : vector<16xi1>, vector<16xi32>
        tpu.vector_store_idx %arg7[%parallel_loop3A_250], %broadcast_in_dim3A_1 masked %parallel_loop3A_243 {add = true} : memref<102400xf32, #tpu.memory_space<vmem>>[vector<16xi32>], vector<16xf32>, vector<16xi1>
      } {sc.loop_unroll_factor = 8 : i64, sc.parallel_access}
      %add3A_213 = arith.constant 2 : i32
      %add3A_214 = arith.addi %mul3A_145, %add3A_213 : i32
      %add3A_215 = arith.constant 1 : i32
      %add3A_216 = arith.addi %add3A_214, %add3A_215 : i32
      %lt3A_217 = arith.constant 40 : i32
      %lt3A_218 = arith.cmpi slt, %add3A_216, %lt3A_217 : i32
      %convert_element_type3A_219 = arith.extui %lt3A_218 : i1 to i32
      %cond3A_220 = arith.constant 0 : i32
      %cond3A_221 = arith.cmpi ne, %convert_element_type3A_219, %cond3A_220 : i32
      scf.if %cond3A_221 {
        %add3A_222 = arith.constant 2 : i32
        %add3A_223 = arith.addi %mul3A_145, %add3A_222 : i32
        %add3A_224 = arith.constant 1 : i32
        %add3A_225 = arith.addi %add3A_223, %add3A_224 : i32
        %mul3A_226 = arith.constant 4096 : i32
        %mul3A_227 = arith.muli %add3A_225, %mul3A_226 : i32
        %dma_start3A_228 = arith.constant 1 : i32
        %dma_start3A_229 = arith.constant 1 : i32
        %dma_start3A_230 = arith.constant 0 : i32
        %dma_start3A_231 = tpu.memref_slice %arg5[%dma_start3A_228, %dma_start3A_230] : memref<2x4096xi32, #tpu.memory_space<vmem>> -> memref<1x4096xi32, #tpu.memory_space<vmem>>
        %dma_start3A_232 = tpu.memref_squeeze %dma_start3A_231 : memref<1x4096xi32, #tpu.memory_space<vmem>> -> memref<4096xi32, #tpu.memory_space<vmem>>
        %dma_start3A_233 = tpu.memref_slice %arg2[%mul3A_227] : memref<163840xi32, #tpu.memory_space<hbm>> -> memref<4096xi32, #tpu.memory_space<hbm>>
        %dma_start3A_234 = tpu.memref_slice %arg8[%dma_start3A_229] : memref<2x!tpu.dma_semaphore, #tpu.memory_space<semaphore_mem>> -> memref<1x!tpu.dma_semaphore, #tpu.memory_space<semaphore_mem>>
        %dma_start3A_235 = tpu.memref_squeeze %dma_start3A_234 : memref<1x!tpu.dma_semaphore, #tpu.memory_space<semaphore_mem>> -> memref<!tpu.dma_semaphore, #tpu.memory_space<semaphore_mem>>
        %dma_start3A_236 = arith.constant 0 : i32
        %dma_start3A_237 = tpu.memref_slice %arg5[%dma_start3A_228, %dma_start3A_236] : memref<2x4096xi32, #tpu.memory_space<vmem>> -> memref<1x4096xi32, #tpu.memory_space<vmem>>
        %dma_start3A_238 = tpu.memref_squeeze %dma_start3A_237 : memref<1x4096xi32, #tpu.memory_space<vmem>> -> memref<4096xi32, #tpu.memory_space<vmem>>
        %dma_start3A_239 = tpu.memref_slice %arg2[%mul3A_227] : memref<163840xi32, #tpu.memory_space<hbm>> -> memref<4096xi32, #tpu.memory_space<hbm>>
        tpu.enqueue_dma source(%dma_start3A_239 : memref<4096xi32, #tpu.memory_space<hbm>>) target(%dma_start3A_238 : memref<4096xi32, #tpu.memory_space<vmem>>) target_semaphore(%dma_start3A_235 : memref<!tpu.dma_semaphore, #tpu.memory_space<semaphore_mem>>)
        %mul3A_240 = arith.constant 4096 : i32
        %mul3A_241 = arith.muli %add3A_225, %mul3A_240 : i32
        %dma_start3A_242 = arith.constant 1 : i32
        %dma_start3A_243 = arith.constant 1 : i32
        %dma_start3A_244 = arith.constant 0 : i32
        %dma_start3A_245 = tpu.memref_slice %arg6[%dma_start3A_242, %dma_start3A_244] : memref<2x4096xi32, #tpu.memory_space<vmem>> -> memref<1x4096xi32, #tpu.memory_space<vmem>>
        %dma_start3A_246 = tpu.memref_squeeze %dma_start3A_245 : memref<1x4096xi32, #tpu.memory_space<vmem>> -> memref<4096xi32, #tpu.memory_space<vmem>>
        %dma_start3A_247 = tpu.memref_slice %arg3[%mul3A_241] : memref<163840xi32, #tpu.memory_space<hbm>> -> memref<4096xi32, #tpu.memory_space<hbm>>
        %dma_start3A_248 = tpu.memref_slice %arg9[%dma_start3A_243] : memref<2x!tpu.dma_semaphore, #tpu.memory_space<semaphore_mem>> -> memref<1x!tpu.dma_semaphore, #tpu.memory_space<semaphore_mem>>
        %dma_start3A_249 = tpu.memref_squeeze %dma_start3A_248 : memref<1x!tpu.dma_semaphore, #tpu.memory_space<semaphore_mem>> -> memref<!tpu.dma_semaphore, #tpu.memory_space<semaphore_mem>>
        %dma_start3A_250 = arith.constant 0 : i32
        %dma_start3A_251 = tpu.memref_slice %arg6[%dma_start3A_242, %dma_start3A_250] : memref<2x4096xi32, #tpu.memory_space<vmem>> -> memref<1x4096xi32, #tpu.memory_space<vmem>>
        %dma_start3A_252 = tpu.memref_squeeze %dma_start3A_251 : memref<1x4096xi32, #tpu.memory_space<vmem>> -> memref<4096xi32, #tpu.memory_space<vmem>>
        %dma_start3A_253 = tpu.memref_slice %arg3[%mul3A_241] : memref<163840xi32, #tpu.memory_space<hbm>> -> memref<4096xi32, #tpu.memory_space<hbm>>
        tpu.enqueue_dma source(%dma_start3A_253 : memref<4096xi32, #tpu.memory_space<hbm>>) target(%dma_start3A_252 : memref<4096xi32, #tpu.memory_space<vmem>>) target_semaphore(%dma_start3A_249 : memref<!tpu.dma_semaphore, #tpu.memory_space<semaphore_mem>>)
      } else {
      }
    }
    %scan3A_69 = arith.constant 20 : i32
    %mul3A_70 = arith.constant 2560 : i32
    %mul3A_71 = arith.muli %add3A_7, %mul3A_70 : i32
    "tpu.region"() ({
      %run_scoped3A = tpu.sem_alloc : memref<!tpu.dma_semaphore, #tpu.memory_space<semaphore_mem>>
      %dma_start3A_143 = tpu.memref_slice %arg4[%mul3A_71] : memref<6553600xf32, #tpu.memory_space<hbm>> -> memref<102400xf32, #tpu.memory_space<hbm>>
      %dma_start3A_144 = tpu.memref_slice %arg4[%mul3A_71] : memref<6553600xf32, #tpu.memory_space<hbm>> -> memref<102400xf32, #tpu.memory_space<hbm>>
      tpu.enqueue_dma source(%arg7 : memref<102400xf32, #tpu.memory_space<vmem>>) target(%dma_start3A_144 : memref<102400xf32, #tpu.memory_space<hbm>>) target_semaphore(%run_scoped3A : memref<!tpu.dma_semaphore, #tpu.memory_space<semaphore_mem>>)
      %dma_wait3A = tpu.memref_slice %arg4[%mul3A_71] : memref<6553600xf32, #tpu.memory_space<hbm>> -> memref<102400xf32, #tpu.memory_space<hbm>>
      %dma_wait3A_145 = tpu.memref_slice %arg4[%mul3A_71] : memref<6553600xf32, #tpu.memory_space<hbm>> -> memref<102400xf32, #tpu.memory_space<hbm>>
      tpu.wait_dma2 semaphore(%run_scoped3A : memref<!tpu.dma_semaphore, #tpu.memory_space<semaphore_mem>>) src(%arg7 : memref<102400xf32, #tpu.memory_space<vmem>>) dst(%dma_wait3A_145 : memref<102400xf32, #tpu.memory_space<hbm>>)
      tpu.yield
    }) : () -> ()
    %mul3A_72 = arith.constant 80 : i32
    %mul3A_73 = arith.muli %add3A, %mul3A_72 : i32
    %add3A_74 = arith.constant 40 : i32
    %add3A_75 = arith.addi %mul3A_73, %add3A_74 : i32
    %parallel_loop3A_76 = arith.constant 0 : i32
    %parallel_loop3A_77 = arith.constant 6400 : i32
    %parallel_loop3A_78 = arith.constant 1 : i32
    scf.for %parallel_loop3A_143 = %parallel_loop3A_76 to %parallel_loop3A_77 step %parallel_loop3A_78  : i32 {
      %parallel_loop3A_144 = arith.constant 16 : i32
      %parallel_loop3A_145 = arith.muli %parallel_loop3A_143, %parallel_loop3A_144 : i32
      %parallel_loop3A_146 = arith.index_cast %parallel_loop3A_145 : i32 to index
      %parallel_loop3A_147 = tpu.vector_load %arg7[%parallel_loop3A_146] {strides = array<i32>} : memref<102400xf32, #tpu.memory_space<vmem>>, vector<16xf32>,
      tpu.vector_store %arg7[%parallel_loop3A_146], %broadcast_in_dim3A_3 {strides = array<i32>} : memref<102400xf32, #tpu.memory_space<vmem>>, vector<16xf32>,
    } {sc.loop_unroll_factor = 8 : i64, sc.parallel_access}
    %dma_start3A_79 = arith.constant 0 : i32
    %dma_start3A_80 = arith.constant 0 : i32
    %dma_start3A_81 = arith.constant 0 : i32
    %dma_start3A_82 = tpu.memref_slice %arg5[%dma_start3A_79, %dma_start3A_81] : memref<2x4096xi32, #tpu.memory_space<vmem>> -> memref<1x4096xi32, #tpu.memory_space<vmem>>
    %dma_start3A_83 = tpu.memref_squeeze %dma_start3A_82 : memref<1x4096xi32, #tpu.memory_space<vmem>> -> memref<4096xi32, #tpu.memory_space<vmem>>
    %dma_start3A_84 = arith.constant 0 : i32
    %dma_start3A_85 = tpu.memref_slice %arg2[%dma_start3A_84] : memref<163840xi32, #tpu.memory_space<hbm>> -> memref<4096xi32, #tpu.memory_space<hbm>>
    %dma_start3A_86 = tpu.memref_slice %arg8[%dma_start3A_80] : memref<2x!tpu.dma_semaphore, #tpu.memory_space<semaphore_mem>> -> memref<1x!tpu.dma_semaphore, #tpu.memory_space<semaphore_mem>>
    %dma_start3A_87 = tpu.memref_squeeze %dma_start3A_86 : memref<1x!tpu.dma_semaphore, #tpu.memory_space<semaphore_mem>> -> memref<!tpu.dma_semaphore, #tpu.memory_space<semaphore_mem>>
    %dma_start3A_88 = arith.constant 0 : i32
    %dma_start3A_89 = tpu.memref_slice %arg5[%dma_start3A_79, %dma_start3A_88] : memref<2x4096xi32, #tpu.memory_space<vmem>> -> memref<1x4096xi32, #tpu.memory_space<vmem>>
    %dma_start3A_90 = tpu.memref_squeeze %dma_start3A_89 : memref<1x4096xi32, #tpu.memory_space<vmem>> -> memref<4096xi32, #tpu.memory_space<vmem>>
    %dma_start3A_91 = arith.constant 0 : i32
    %dma_start3A_92 = tpu.memref_slice %arg2[%dma_start3A_91] : memref<163840xi32, #tpu.memory_space<hbm>> -> memref<4096xi32, #tpu.memory_space<hbm>>
    tpu.enqueue_dma source(%dma_start3A_92 : memref<4096xi32, #tpu.memory_space<hbm>>) target(%dma_start3A_90 : memref<4096xi32, #tpu.memory_space<vmem>>) target_semaphore(%dma_start3A_87 : memref<!tpu.dma_semaphore, #tpu.memory_space<semaphore_mem>>)
    %dma_start3A_93 = arith.constant 0 : i32
    %dma_start3A_94 = arith.constant 0 : i32
    %dma_start3A_95 = arith.constant 0 : i32
    %dma_start3A_96 = tpu.memref_slice %arg6[%dma_start3A_93, %dma_start3A_95] : memref<2x4096xi32, #tpu.memory_space<vmem>> -> memref<1x4096xi32, #tpu.memory_space<vmem>>
    %dma_start3A_97 = tpu.memref_squeeze %dma_start3A_96 : memref<1x4096xi32, #tpu.memory_space<vmem>> -> memref<4096xi32, #tpu.memory_space<vmem>>
    %dma_start3A_98 = arith.constant 0 : i32
    %dma_start3A_99 = tpu.memref_slice %arg3[%dma_start3A_98] : memref<163840xi32, #tpu.memory_space<hbm>> -> memref<4096xi32, #tpu.memory_space<hbm>>
    %dma_start3A_100 = tpu.memref_slice %arg9[%dma_start3A_94] : memref<2x!tpu.dma_semaphore, #tpu.memory_space<semaphore_mem>> -> memref<1x!tpu.dma_semaphore, #tpu.memory_space<semaphore_mem>>
    %dma_start3A_101 = tpu.memref_squeeze %dma_start3A_100 : memref<1x!tpu.dma_semaphore, #tpu.memory_space<semaphore_mem>> -> memref<!tpu.dma_semaphore, #tpu.memory_space<semaphore_mem>>
    %dma_start3A_102 = arith.constant 0 : i32
    %dma_start3A_103 = tpu.memref_slice %arg6[%dma_start3A_93, %dma_start3A_102] : memref<2x4096xi32, #tpu.memory_space<vmem>> -> memref<1x4096xi32, #tpu.memory_space<vmem>>
    %dma_start3A_104 = tpu.memref_squeeze %dma_start3A_103 : memref<1x4096xi32, #tpu.memory_space<vmem>> -> memref<4096xi32, #tpu.memory_space<vmem>>
    %dma_start3A_105 = arith.constant 0 : i32
    %dma_start3A_106 = tpu.memref_slice %arg3[%dma_start3A_105] : memref<163840xi32, #tpu.memory_space<hbm>> -> memref<4096xi32, #tpu.memory_space<hbm>>
    tpu.enqueue_dma source(%dma_start3A_106 : memref<4096xi32, #tpu.memory_space<hbm>>) target(%dma_start3A_104 : memref<4096xi32, #tpu.memory_space<vmem>>) target_semaphore(%dma_start3A_101 : memref<!tpu.dma_semaphore, #tpu.memory_space<semaphore_mem>>)
    %dma_start3A_107 = arith.constant 1 : i32
    %dma_start3A_108 = arith.constant 1 : i32
    %dma_start3A_109 = arith.constant 0 : i32
    %dma_start3A_110 = tpu.memref_slice %arg5[%dma_start3A_107, %dma_start3A_109] : memref<2x4096xi32, #tpu.memory_space<vmem>> -> memref<1x4096xi32, #tpu.memory_space<vmem>>
    %dma_start3A_111 = tpu.memref_squeeze %dma_start3A_110 : memref<1x4096xi32, #tpu.memory_space<vmem>> -> memref<4096xi32, #tpu.memory_space<vmem>>
    %dma_start3A_112 = arith.constant 4096 : i32
    %dma_start3A_113 = tpu.memref_slice %arg2[%dma_start3A_112] : memref<163840xi32, #tpu.memory_space<hbm>> -> memref<4096xi32, #tpu.memory_space<hbm>>
    %dma_start3A_114 = tpu.memref_slice %arg8[%dma_start3A_108] : memref<2x!tpu.dma_semaphore, #tpu.memory_space<semaphore_mem>> -> memref<1x!tpu.dma_semaphore, #tpu.memory_space<semaphore_mem>>
    %dma_start3A_115 = tpu.memref_squeeze %dma_start3A_114 : memref<1x!tpu.dma_semaphore, #tpu.memory_space<semaphore_mem>> -> memref<!tpu.dma_semaphore, #tpu.memory_space<semaphore_mem>>
    %dma_start3A_116 = arith.constant 0 : i32
    %dma_start3A_117 = tpu.memref_slice %arg5[%dma_start3A_107, %dma_start3A_116] : memref<2x4096xi32, #tpu.memory_space<vmem>> -> memref<1x4096xi32, #tpu.memory_space<vmem>>
    %dma_start3A_118 = tpu.memref_squeeze %dma_start3A_117 : memref<1x4096xi32, #tpu.memory_space<vmem>> -> memref<4096xi32, #tpu.memory_space<vmem>>
    %dma_start3A_119 = arith.constant 4096 : i32
    %dma_start3A_120 = tpu.memref_slice %arg2[%dma_start3A_119] : memref<163840xi32, #tpu.memory_space<hbm>> -> memref<4096xi32, #tpu.memory_space<hbm>>
    tpu.enqueue_dma source(%dma_start3A_120 : memref<4096xi32, #tpu.memory_space<hbm>>) target(%dma_start3A_118 : memref<4096xi32, #tpu.memory_space<vmem>>) target_semaphore(%dma_start3A_115 : memref<!tpu.dma_semaphore, #tpu.memory_space<semaphore_mem>>)
    %dma_start3A_121 = arith.constant 1 : i32
    %dma_start3A_122 = arith.constant 1 : i32
    %dma_start3A_123 = arith.constant 0 : i32
    %dma_start3A_124 = tpu.memref_slice %arg6[%dma_start3A_121, %dma_start3A_123] : memref<2x4096xi32, #tpu.memory_space<vmem>> -> memref<1x4096xi32, #tpu.memory_space<vmem>>
    %dma_start3A_125 = tpu.memref_squeeze %dma_start3A_124 : memref<1x4096xi32, #tpu.memory_space<vmem>> -> memref<4096xi32, #tpu.memory_space<vmem>>
    %dma_start3A_126 = arith.constant 4096 : i32
    %dma_start3A_127 = tpu.memref_slice %arg3[%dma_start3A_126] : memref<163840xi32, #tpu.memory_space<hbm>> -> memref<4096xi32, #tpu.memory_space<hbm>>
    %dma_start3A_128 = tpu.memref_slice %arg9[%dma_start3A_122] : memref<2x!tpu.dma_semaphore, #tpu.memory_space<semaphore_mem>> -> memref<1x!tpu.dma_semaphore, #tpu.memory_space<semaphore_mem>>
    %dma_start3A_129 = tpu.memref_squeeze %dma_start3A_128 : memref<1x!tpu.dma_semaphore, #tpu.memory_space<semaphore_mem>> -> memref<!tpu.dma_semaphore, #tpu.memory_space<semaphore_mem>>
    %dma_start3A_130 = arith.constant 0 : i32
    %dma_start3A_131 = tpu.memref_slice %arg6[%dma_start3A_121, %dma_start3A_130] : memref<2x4096xi32, #tpu.memory_space<vmem>> -> memref<1x4096xi32, #tpu.memory_space<vmem>>
    %dma_start3A_132 = tpu.memref_squeeze %dma_start3A_131 : memref<1x4096xi32, #tpu.memory_space<vmem>> -> memref<4096xi32, #tpu.memory_space<vmem>>
    %dma_start3A_133 = arith.constant 4096 : i32
    %dma_start3A_134 = tpu.memref_slice %arg3[%dma_start3A_133] : memref<163840xi32, #tpu.memory_space<hbm>> -> memref<4096xi32, #tpu.memory_space<hbm>>
    tpu.enqueue_dma source(%dma_start3A_134 : memref<4096xi32, #tpu.memory_space<hbm>>) target(%dma_start3A_132 : memref<4096xi32, #tpu.memory_space<vmem>>) target_semaphore(%dma_start3A_129 : memref<!tpu.dma_semaphore, #tpu.memory_space<semaphore_mem>>)
    %scan3A_135 = arith.constant 0 : i32
    %scan3A_136 = arith.constant 0 : i32
    %scan3A_137 = arith.constant 20 : i32
    %scan3A_138 = arith.addi %scan3A_136, %scan3A_137 : i32
    %scan3A_139 = arith.constant 1 : i32
    scf.for %scan3A_143 = %scan3A_136 to %scan3A_138 step %scan3A_139  : i32 {
      %mul3A_144 = arith.constant 2 : i32
      %mul3A_145 = arith.muli %scan3A_143, %mul3A_144 : i32
      %dma_wait3A = arith.constant 0 : i32
      %dma_wait3A_146 = arith.constant 0 : i32
      %dma_wait3A_147 = arith.constant 0 : i32
      %dma_wait3A_148 = tpu.memref_slice %arg5[%dma_wait3A, %dma_wait3A_147] : memref<2x4096xi32, #tpu.memory_space<vmem>> -> memref<1x4096xi32, #tpu.memory_space<vmem>>
      %dma_wait3A_149 = tpu.memref_squeeze %dma_wait3A_148 : memref<1x4096xi32, #tpu.memory_space<vmem>> -> memref<4096xi32, #tpu.memory_space<vmem>>
      %dma_wait3A_150 = arith.constant 0 : i32
      %dma_wait3A_151 = tpu.memref_slice %arg2[%dma_wait3A_150] : memref<163840xi32, #tpu.memory_space<hbm>> -> memref<4096xi32, #tpu.memory_space<hbm>>
      %dma_wait3A_152 = tpu.memref_slice %arg8[%dma_wait3A_146] : memref<2x!tpu.dma_semaphore, #tpu.memory_space<semaphore_mem>> -> memref<1x!tpu.dma_semaphore, #tpu.memory_space<semaphore_mem>>
      %dma_wait3A_153 = tpu.memref_squeeze %dma_wait3A_152 : memref<1x!tpu.dma_semaphore, #tpu.memory_space<semaphore_mem>> -> memref<!tpu.dma_semaphore, #tpu.memory_space<semaphore_mem>>
      %dma_wait3A_154 = arith.constant 0 : i32
      %dma_wait3A_155 = tpu.memref_slice %arg5[%dma_wait3A, %dma_wait3A_154] : memref<2x4096xi32, #tpu.memory_space<vmem>> -> memref<1x4096xi32, #tpu.memory_space<vmem>>
      %dma_wait3A_156 = tpu.memref_squeeze %dma_wait3A_155 : memref<1x4096xi32, #tpu.memory_space<vmem>> -> memref<4096xi32, #tpu.memory_space<vmem>>
      %dma_wait3A_157 = arith.constant 0 : i32
      %dma_wait3A_158 = tpu.memref_slice %arg2[%dma_wait3A_157] : memref<163840xi32, #tpu.memory_space<hbm>> -> memref<4096xi32, #tpu.memory_space<hbm>>
      tpu.wait_dma2 semaphore(%dma_wait3A_153 : memref<!tpu.dma_semaphore, #tpu.memory_space<semaphore_mem>>) src(%dma_wait3A_158 : memref<4096xi32, #tpu.memory_space<hbm>>) dst(%dma_wait3A_156 : memref<4096xi32, #tpu.memory_space<vmem>>)
      %dma_wait3A_159 = arith.constant 0 : i32
      %dma_wait3A_160 = arith.constant 0 : i32
      %dma_wait3A_161 = arith.constant 0 : i32
      %dma_wait3A_162 = tpu.memref_slice %arg6[%dma_wait3A_159, %dma_wait3A_161] : memref<2x4096xi32, #tpu.memory_space<vmem>> -> memref<1x4096xi32, #tpu.memory_space<vmem>>
      %dma_wait3A_163 = tpu.memref_squeeze %dma_wait3A_162 : memref<1x4096xi32, #tpu.memory_space<vmem>> -> memref<4096xi32, #tpu.memory_space<vmem>>
      %dma_wait3A_164 = arith.constant 0 : i32
      %dma_wait3A_165 = tpu.memref_slice %arg3[%dma_wait3A_164] : memref<163840xi32, #tpu.memory_space<hbm>> -> memref<4096xi32, #tpu.memory_space<hbm>>
      %dma_wait3A_166 = tpu.memref_slice %arg9[%dma_wait3A_160] : memref<2x!tpu.dma_semaphore, #tpu.memory_space<semaphore_mem>> -> memref<1x!tpu.dma_semaphore, #tpu.memory_space<semaphore_mem>>
      %dma_wait3A_167 = tpu.memref_squeeze %dma_wait3A_166 : memref<1x!tpu.dma_semaphore, #tpu.memory_space<semaphore_mem>> -> memref<!tpu.dma_semaphore, #tpu.memory_space<semaphore_mem>>
      %dma_wait3A_168 = arith.constant 0 : i32
      %dma_wait3A_169 = tpu.memref_slice %arg6[%dma_wait3A_159, %dma_wait3A_168] : memref<2x4096xi32, #tpu.memory_space<vmem>> -> memref<1x4096xi32, #tpu.memory_space<vmem>>
      %dma_wait3A_170 = tpu.memref_squeeze %dma_wait3A_169 : memref<1x4096xi32, #tpu.memory_space<vmem>> -> memref<4096xi32, #tpu.memory_space<vmem>>
      %dma_wait3A_171 = arith.constant 0 : i32
      %dma_wait3A_172 = tpu.memref_slice %arg3[%dma_wait3A_171] : memref<163840xi32, #tpu.memory_space<hbm>> -> memref<4096xi32, #tpu.memory_space<hbm>>
      tpu.wait_dma2 semaphore(%dma_wait3A_167 : memref<!tpu.dma_semaphore, #tpu.memory_space<semaphore_mem>>) src(%dma_wait3A_172 : memref<4096xi32, #tpu.memory_space<hbm>>) dst(%dma_wait3A_170 : memref<4096xi32, #tpu.memory_space<vmem>>)
      %parallel_loop3A_173 = arith.constant 0 : i32
      %parallel_loop3A_174 = arith.constant 256 : i32
      %parallel_loop3A_175 = arith.constant 1 : i32
      scf.for %parallel_loop3A_222 = %parallel_loop3A_173 to %parallel_loop3A_174 step %parallel_loop3A_175  : i32 {
        %parallel_loop3A_223 = arith.constant 16 : i32
        %parallel_loop3A_224 = arith.muli %parallel_loop3A_222, %parallel_loop3A_223 : i32
        %parallel_loop3A_225 = arith.constant 0 : i32
        %parallel_loop3A_226 = arith.index_cast %parallel_loop3A_225 : i32 to index
        %parallel_loop3A_227 = arith.index_cast %parallel_loop3A_224 : i32 to index
        %parallel_loop3A_228 = tpu.vector_load %arg5[%parallel_loop3A_226, %parallel_loop3A_227] {strides = array<i32>} : memref<2x4096xi32, #tpu.memory_space<vmem>>, vector<16xi32>,
        %parallel_loop3A_229 = arith.constant 16 : i32
        %parallel_loop3A_230 = arith.muli %parallel_loop3A_222, %parallel_loop3A_229 : i32
        %parallel_loop3A_231 = arith.constant 0 : i32
        %parallel_loop3A_232 = arith.index_cast %parallel_loop3A_231 : i32 to index
        %parallel_loop3A_233 = arith.index_cast %parallel_loop3A_230 : i32 to index
        %parallel_loop3A_234 = tpu.vector_load %arg6[%parallel_loop3A_232, %parallel_loop3A_233] {strides = array<i32>} : memref<2x4096xi32, #tpu.memory_space<vmem>>, vector<16xi32>,
        %parallel_loop3A_235 = vector.broadcast %add3A_75 : i32 to vector<16xi32>
        %parallel_loop3A_236 = arith.subi %parallel_loop3A_234, %parallel_loop3A_235 : vector<16xi32>
        %parallel_loop3A_237 = arith.constant 0 : i32
        %parallel_loop3A_238 = vector.broadcast %parallel_loop3A_237 : i32 to vector<16xi32>
        %parallel_loop3A_239 = arith.cmpi sge, %parallel_loop3A_236, %parallel_loop3A_238 : vector<16xi32>
        %parallel_loop3A_240 = arith.constant 40 : i32
        %parallel_loop3A_241 = vector.broadcast %parallel_loop3A_240 : i32 to vector<16xi32>
        %parallel_loop3A_242 = arith.cmpi slt, %parallel_loop3A_236, %parallel_loop3A_241 : vector<16xi32>
        %parallel_loop3A_243 = arith.andi %parallel_loop3A_239, %parallel_loop3A_242 : vector<16xi1>
        %parallel_loop3A_244 = arith.constant 2560 : i32
        %parallel_loop3A_245 = vector.broadcast %parallel_loop3A_244 : i32 to vector<16xi32>
        %parallel_loop3A_246 = arith.muli %parallel_loop3A_236, %parallel_loop3A_245 : vector<16xi32>
        %parallel_loop3A_247 = arith.addi %parallel_loop3A_246, %parallel_loop3A_228 : vector<16xi32>
        %parallel_loop3A_248 = arith.constant 0 : i32
        %parallel_loop3A_249 = vector.broadcast %parallel_loop3A_248 : i32 to vector<16xi32>
        %parallel_loop3A_250 = arith.select %parallel_loop3A_243, %parallel_loop3A_247, %parallel_loop3A_249 : vector<16xi1>, vector<16xi32>
        tpu.vector_store_idx %arg7[%parallel_loop3A_250], %broadcast_in_dim3A_1 masked %parallel_loop3A_243 {add = true} : memref<102400xf32, #tpu.memory_space<vmem>>[vector<16xi32>], vector<16xf32>, vector<16xi1>
      } {sc.loop_unroll_factor = 8 : i64, sc.parallel_access}
      %add3A_176 = arith.constant 2 : i32
      %add3A_177 = arith.addi %mul3A_145, %add3A_176 : i32
      %add3A_178 = arith.constant 0 : i32
      %add3A_179 = arith.addi %add3A_177, %add3A_178 : i32
      %lt3A = arith.constant 40 : i32
      %lt3A_180 = arith.cmpi slt, %add3A_179, %lt3A : i32
      %convert_element_type3A = arith.extui %lt3A_180 : i1 to i32
      %cond3A = arith.constant 0 : i32
      %cond3A_181 = arith.cmpi ne, %convert_element_type3A, %cond3A : i32
      scf.if %cond3A_181 {
        %add3A_222 = arith.constant 2 : i32
        %add3A_223 = arith.addi %mul3A_145, %add3A_222 : i32
        %add3A_224 = arith.constant 0 : i32
        %add3A_225 = arith.addi %add3A_223, %add3A_224 : i32
        %mul3A_226 = arith.constant 4096 : i32
        %mul3A_227 = arith.muli %add3A_225, %mul3A_226 : i32
        %dma_start3A_228 = arith.constant 0 : i32
        %dma_start3A_229 = arith.constant 0 : i32
        %dma_start3A_230 = arith.constant 0 : i32
        %dma_start3A_231 = tpu.memref_slice %arg5[%dma_start3A_228, %dma_start3A_230] : memref<2x4096xi32, #tpu.memory_space<vmem>> -> memref<1x4096xi32, #tpu.memory_space<vmem>>
        %dma_start3A_232 = tpu.memref_squeeze %dma_start3A_231 : memref<1x4096xi32, #tpu.memory_space<vmem>> -> memref<4096xi32, #tpu.memory_space<vmem>>
        %dma_start3A_233 = tpu.memref_slice %arg2[%mul3A_227] : memref<163840xi32, #tpu.memory_space<hbm>> -> memref<4096xi32, #tpu.memory_space<hbm>>
        %dma_start3A_234 = tpu.memref_slice %arg8[%dma_start3A_229] : memref<2x!tpu.dma_semaphore, #tpu.memory_space<semaphore_mem>> -> memref<1x!tpu.dma_semaphore, #tpu.memory_space<semaphore_mem>>
        %dma_start3A_235 = tpu.memref_squeeze %dma_start3A_234 : memref<1x!tpu.dma_semaphore, #tpu.memory_space<semaphore_mem>> -> memref<!tpu.dma_semaphore, #tpu.memory_space<semaphore_mem>>
        %dma_start3A_236 = arith.constant 0 : i32
        %dma_start3A_237 = tpu.memref_slice %arg5[%dma_start3A_228, %dma_start3A_236] : memref<2x4096xi32, #tpu.memory_space<vmem>> -> memref<1x4096xi32, #tpu.memory_space<vmem>>
        %dma_start3A_238 = tpu.memref_squeeze %dma_start3A_237 : memref<1x4096xi32, #tpu.memory_space<vmem>> -> memref<4096xi32, #tpu.memory_space<vmem>>
        %dma_start3A_239 = tpu.memref_slice %arg2[%mul3A_227] : memref<163840xi32, #tpu.memory_space<hbm>> -> memref<4096xi32, #tpu.memory_space<hbm>>
        tpu.enqueue_dma source(%dma_start3A_239 : memref<4096xi32, #tpu.memory_space<hbm>>) target(%dma_start3A_238 : memref<4096xi32, #tpu.memory_space<vmem>>) target_semaphore(%dma_start3A_235 : memref<!tpu.dma_semaphore, #tpu.memory_space<semaphore_mem>>)
        %mul3A_240 = arith.constant 4096 : i32
        %mul3A_241 = arith.muli %add3A_225, %mul3A_240 : i32
        %dma_start3A_242 = arith.constant 0 : i32
        %dma_start3A_243 = arith.constant 0 : i32
        %dma_start3A_244 = arith.constant 0 : i32
        %dma_start3A_245 = tpu.memref_slice %arg6[%dma_start3A_242, %dma_start3A_244] : memref<2x4096xi32, #tpu.memory_space<vmem>> -> memref<1x4096xi32, #tpu.memory_space<vmem>>
        %dma_start3A_246 = tpu.memref_squeeze %dma_start3A_245 : memref<1x4096xi32, #tpu.memory_space<vmem>> -> memref<4096xi32, #tpu.memory_space<vmem>>
        %dma_start3A_247 = tpu.memref_slice %arg3[%mul3A_241] : memref<163840xi32, #tpu.memory_space<hbm>> -> memref<4096xi32, #tpu.memory_space<hbm>>
        %dma_start3A_248 = tpu.memref_slice %arg9[%dma_start3A_243] : memref<2x!tpu.dma_semaphore, #tpu.memory_space<semaphore_mem>> -> memref<1x!tpu.dma_semaphore, #tpu.memory_space<semaphore_mem>>
        %dma_start3A_249 = tpu.memref_squeeze %dma_start3A_248 : memref<1x!tpu.dma_semaphore, #tpu.memory_space<semaphore_mem>> -> memref<!tpu.dma_semaphore, #tpu.memory_space<semaphore_mem>>
        %dma_start3A_250 = arith.constant 0 : i32
        %dma_start3A_251 = tpu.memref_slice %arg6[%dma_start3A_242, %dma_start3A_250] : memref<2x4096xi32, #tpu.memory_space<vmem>> -> memref<1x4096xi32, #tpu.memory_space<vmem>>
        %dma_start3A_252 = tpu.memref_squeeze %dma_start3A_251 : memref<1x4096xi32, #tpu.memory_space<vmem>> -> memref<4096xi32, #tpu.memory_space<vmem>>
        %dma_start3A_253 = tpu.memref_slice %arg3[%mul3A_241] : memref<163840xi32, #tpu.memory_space<hbm>> -> memref<4096xi32, #tpu.memory_space<hbm>>
        tpu.enqueue_dma source(%dma_start3A_253 : memref<4096xi32, #tpu.memory_space<hbm>>) target(%dma_start3A_252 : memref<4096xi32, #tpu.memory_space<vmem>>) target_semaphore(%dma_start3A_249 : memref<!tpu.dma_semaphore, #tpu.memory_space<semaphore_mem>>)
      } else {
      }
      %dma_wait3A_182 = arith.constant 1 : i32
      %dma_wait3A_183 = arith.constant 1 : i32
      %dma_wait3A_184 = arith.constant 0 : i32
      %dma_wait3A_185 = tpu.memref_slice %arg5[%dma_wait3A_182, %dma_wait3A_184] : memref<2x4096xi32, #tpu.memory_space<vmem>> -> memref<1x4096xi32, #tpu.memory_space<vmem>>
      %dma_wait3A_186 = tpu.memref_squeeze %dma_wait3A_185 : memref<1x4096xi32, #tpu.memory_space<vmem>> -> memref<4096xi32, #tpu.memory_space<vmem>>
      %dma_wait3A_187 = arith.constant 0 : i32
      %dma_wait3A_188 = tpu.memref_slice %arg2[%dma_wait3A_187] : memref<163840xi32, #tpu.memory_space<hbm>> -> memref<4096xi32, #tpu.memory_space<hbm>>
      %dma_wait3A_189 = tpu.memref_slice %arg8[%dma_wait3A_183] : memref<2x!tpu.dma_semaphore, #tpu.memory_space<semaphore_mem>> -> memref<1x!tpu.dma_semaphore, #tpu.memory_space<semaphore_mem>>
      %dma_wait3A_190 = tpu.memref_squeeze %dma_wait3A_189 : memref<1x!tpu.dma_semaphore, #tpu.memory_space<semaphore_mem>> -> memref<!tpu.dma_semaphore, #tpu.memory_space<semaphore_mem>>
      %dma_wait3A_191 = arith.constant 0 : i32
      %dma_wait3A_192 = tpu.memref_slice %arg5[%dma_wait3A_182, %dma_wait3A_191] : memref<2x4096xi32, #tpu.memory_space<vmem>> -> memref<1x4096xi32, #tpu.memory_space<vmem>>
      %dma_wait3A_193 = tpu.memref_squeeze %dma_wait3A_192 : memref<1x4096xi32, #tpu.memory_space<vmem>> -> memref<4096xi32, #tpu.memory_space<vmem>>
      %dma_wait3A_194 = arith.constant 0 : i32
      %dma_wait3A_195 = tpu.memref_slice %arg2[%dma_wait3A_194] : memref<163840xi32, #tpu.memory_space<hbm>> -> memref<4096xi32, #tpu.memory_space<hbm>>
      tpu.wait_dma2 semaphore(%dma_wait3A_190 : memref<!tpu.dma_semaphore, #tpu.memory_space<semaphore_mem>>) src(%dma_wait3A_195 : memref<4096xi32, #tpu.memory_space<hbm>>) dst(%dma_wait3A_193 : memref<4096xi32, #tpu.memory_space<vmem>>)
      %dma_wait3A_196 = arith.constant 1 : i32
      %dma_wait3A_197 = arith.constant 1 : i32
      %dma_wait3A_198 = arith.constant 0 : i32
      %dma_wait3A_199 = tpu.memref_slice %arg6[%dma_wait3A_196, %dma_wait3A_198] : memref<2x4096xi32, #tpu.memory_space<vmem>> -> memref<1x4096xi32, #tpu.memory_space<vmem>>
      %dma_wait3A_200 = tpu.memref_squeeze %dma_wait3A_199 : memref<1x4096xi32, #tpu.memory_space<vmem>> -> memref<4096xi32, #tpu.memory_space<vmem>>
      %dma_wait3A_201 = arith.constant 0 : i32
      %dma_wait3A_202 = tpu.memref_slice %arg3[%dma_wait3A_201] : memref<163840xi32, #tpu.memory_space<hbm>> -> memref<4096xi32, #tpu.memory_space<hbm>>
      %dma_wait3A_203 = tpu.memref_slice %arg9[%dma_wait3A_197] : memref<2x!tpu.dma_semaphore, #tpu.memory_space<semaphore_mem>> -> memref<1x!tpu.dma_semaphore, #tpu.memory_space<semaphore_mem>>
      %dma_wait3A_204 = tpu.memref_squeeze %dma_wait3A_203 : memref<1x!tpu.dma_semaphore, #tpu.memory_space<semaphore_mem>> -> memref<!tpu.dma_semaphore, #tpu.memory_space<semaphore_mem>>
      %dma_wait3A_205 = arith.constant 0 : i32
      %dma_wait3A_206 = tpu.memref_slice %arg6[%dma_wait3A_196, %dma_wait3A_205] : memref<2x4096xi32, #tpu.memory_space<vmem>> -> memref<1x4096xi32, #tpu.memory_space<vmem>>
      %dma_wait3A_207 = tpu.memref_squeeze %dma_wait3A_206 : memref<1x4096xi32, #tpu.memory_space<vmem>> -> memref<4096xi32, #tpu.memory_space<vmem>>
      %dma_wait3A_208 = arith.constant 0 : i32
      %dma_wait3A_209 = tpu.memref_slice %arg3[%dma_wait3A_208] : memref<163840xi32, #tpu.memory_space<hbm>> -> memref<4096xi32, #tpu.memory_space<hbm>>
      tpu.wait_dma2 semaphore(%dma_wait3A_204 : memref<!tpu.dma_semaphore, #tpu.memory_space<semaphore_mem>>) src(%dma_wait3A_209 : memref<4096xi32, #tpu.memory_space<hbm>>) dst(%dma_wait3A_207 : memref<4096xi32, #tpu.memory_space<vmem>>)
      %parallel_loop3A_210 = arith.constant 0 : i32
      %parallel_loop3A_211 = arith.constant 256 : i32
      %parallel_loop3A_212 = arith.constant 1 : i32
      scf.for %parallel_loop3A_222 = %parallel_loop3A_210 to %parallel_loop3A_211 step %parallel_loop3A_212  : i32 {
        %parallel_loop3A_223 = arith.constant 16 : i32
        %parallel_loop3A_224 = arith.muli %parallel_loop3A_222, %parallel_loop3A_223 : i32
        %parallel_loop3A_225 = arith.constant 1 : i32
        %parallel_loop3A_226 = arith.index_cast %parallel_loop3A_225 : i32 to index
        %parallel_loop3A_227 = arith.index_cast %parallel_loop3A_224 : i32 to index
        %parallel_loop3A_228 = tpu.vector_load %arg5[%parallel_loop3A_226, %parallel_loop3A_227] {strides = array<i32>} : memref<2x4096xi32, #tpu.memory_space<vmem>>, vector<16xi32>,
        %parallel_loop3A_229 = arith.constant 16 : i32
        %parallel_loop3A_230 = arith.muli %parallel_loop3A_222, %parallel_loop3A_229 : i32
        %parallel_loop3A_231 = arith.constant 1 : i32
        %parallel_loop3A_232 = arith.index_cast %parallel_loop3A_231 : i32 to index
        %parallel_loop3A_233 = arith.index_cast %parallel_loop3A_230 : i32 to index
        %parallel_loop3A_234 = tpu.vector_load %arg6[%parallel_loop3A_232, %parallel_loop3A_233] {strides = array<i32>} : memref<2x4096xi32, #tpu.memory_space<vmem>>, vector<16xi32>,
        %parallel_loop3A_235 = vector.broadcast %add3A_75 : i32 to vector<16xi32>
        %parallel_loop3A_236 = arith.subi %parallel_loop3A_234, %parallel_loop3A_235 : vector<16xi32>
        %parallel_loop3A_237 = arith.constant 0 : i32
        %parallel_loop3A_238 = vector.broadcast %parallel_loop3A_237 : i32 to vector<16xi32>
        %parallel_loop3A_239 = arith.cmpi sge, %parallel_loop3A_236, %parallel_loop3A_238 : vector<16xi32>
        %parallel_loop3A_240 = arith.constant 40 : i32
        %parallel_loop3A_241 = vector.broadcast %parallel_loop3A_240 : i32 to vector<16xi32>
        %parallel_loop3A_242 = arith.cmpi slt, %parallel_loop3A_236, %parallel_loop3A_241 : vector<16xi32>
        %parallel_loop3A_243 = arith.andi %parallel_loop3A_239, %parallel_loop3A_242 : vector<16xi1>
        %parallel_loop3A_244 = arith.constant 2560 : i32
        %parallel_loop3A_245 = vector.broadcast %parallel_loop3A_244 : i32 to vector<16xi32>
        %parallel_loop3A_246 = arith.muli %parallel_loop3A_236, %parallel_loop3A_245 : vector<16xi32>
        %parallel_loop3A_247 = arith.addi %parallel_loop3A_246, %parallel_loop3A_228 : vector<16xi32>
        %parallel_loop3A_248 = arith.constant 0 : i32
        %parallel_loop3A_249 = vector.broadcast %parallel_loop3A_248 : i32 to vector<16xi32>
        %parallel_loop3A_250 = arith.select %parallel_loop3A_243, %parallel_loop3A_247, %parallel_loop3A_249 : vector<16xi1>, vector<16xi32>
        tpu.vector_store_idx %arg7[%parallel_loop3A_250], %broadcast_in_dim3A_1 masked %parallel_loop3A_243 {add = true} : memref<102400xf32, #tpu.memory_space<vmem>>[vector<16xi32>], vector<16xf32>, vector<16xi1>
      } {sc.loop_unroll_factor = 8 : i64, sc.parallel_access}
      %add3A_213 = arith.constant 2 : i32
      %add3A_214 = arith.addi %mul3A_145, %add3A_213 : i32
      %add3A_215 = arith.constant 1 : i32
      %add3A_216 = arith.addi %add3A_214, %add3A_215 : i32
      %lt3A_217 = arith.constant 40 : i32
      %lt3A_218 = arith.cmpi slt, %add3A_216, %lt3A_217 : i32
      %convert_element_type3A_219 = arith.extui %lt3A_218 : i1 to i32
      %cond3A_220 = arith.constant 0 : i32
      %cond3A_221 = arith.cmpi ne, %convert_element_type3A_219, %cond3A_220 : i32
      scf.if %cond3A_221 {
        %add3A_222 = arith.constant 2 : i32
        %add3A_223 = arith.addi %mul3A_145, %add3A_222 : i32
        %add3A_224 = arith.constant 1 : i32
        %add3A_225 = arith.addi %add3A_223, %add3A_224 : i32
        %mul3A_226 = arith.constant 4096 : i32
        %mul3A_227 = arith.muli %add3A_225, %mul3A_226 : i32
        %dma_start3A_228 = arith.constant 1 : i32
        %dma_start3A_229 = arith.constant 1 : i32
        %dma_start3A_230 = arith.constant 0 : i32
        %dma_start3A_231 = tpu.memref_slice %arg5[%dma_start3A_228, %dma_start3A_230] : memref<2x4096xi32, #tpu.memory_space<vmem>> -> memref<1x4096xi32, #tpu.memory_space<vmem>>
        %dma_start3A_232 = tpu.memref_squeeze %dma_start3A_231 : memref<1x4096xi32, #tpu.memory_space<vmem>> -> memref<4096xi32, #tpu.memory_space<vmem>>
        %dma_start3A_233 = tpu.memref_slice %arg2[%mul3A_227] : memref<163840xi32, #tpu.memory_space<hbm>> -> memref<4096xi32, #tpu.memory_space<hbm>>
        %dma_start3A_234 = tpu.memref_slice %arg8[%dma_start3A_229] : memref<2x!tpu.dma_semaphore, #tpu.memory_space<semaphore_mem>> -> memref<1x!tpu.dma_semaphore, #tpu.memory_space<semaphore_mem>>
        %dma_start3A_235 = tpu.memref_squeeze %dma_start3A_234 : memref<1x!tpu.dma_semaphore, #tpu.memory_space<semaphore_mem>> -> memref<!tpu.dma_semaphore, #tpu.memory_space<semaphore_mem>>
        %dma_start3A_236 = arith.constant 0 : i32
        %dma_start3A_237 = tpu.memref_slice %arg5[%dma_start3A_228, %dma_start3A_236] : memref<2x4096xi32, #tpu.memory_space<vmem>> -> memref<1x4096xi32, #tpu.memory_space<vmem>>
        %dma_start3A_238 = tpu.memref_squeeze %dma_start3A_237 : memref<1x4096xi32, #tpu.memory_space<vmem>> -> memref<4096xi32, #tpu.memory_space<vmem>>
        %dma_start3A_239 = tpu.memref_slice %arg2[%mul3A_227] : memref<163840xi32, #tpu.memory_space<hbm>> -> memref<4096xi32, #tpu.memory_space<hbm>>
        tpu.enqueue_dma source(%dma_start3A_239 : memref<4096xi32, #tpu.memory_space<hbm>>) target(%dma_start3A_238 : memref<4096xi32, #tpu.memory_space<vmem>>) target_semaphore(%dma_start3A_235 : memref<!tpu.dma_semaphore, #tpu.memory_space<semaphore_mem>>)
        %mul3A_240 = arith.constant 4096 : i32
        %mul3A_241 = arith.muli %add3A_225, %mul3A_240 : i32
        %dma_start3A_242 = arith.constant 1 : i32
        %dma_start3A_243 = arith.constant 1 : i32
        %dma_start3A_244 = arith.constant 0 : i32
        %dma_start3A_245 = tpu.memref_slice %arg6[%dma_start3A_242, %dma_start3A_244] : memref<2x4096xi32, #tpu.memory_space<vmem>> -> memref<1x4096xi32, #tpu.memory_space<vmem>>
        %dma_start3A_246 = tpu.memref_squeeze %dma_start3A_245 : memref<1x4096xi32, #tpu.memory_space<vmem>> -> memref<4096xi32, #tpu.memory_space<vmem>>
        %dma_start3A_247 = tpu.memref_slice %arg3[%mul3A_241] : memref<163840xi32, #tpu.memory_space<hbm>> -> memref<4096xi32, #tpu.memory_space<hbm>>
        %dma_start3A_248 = tpu.memref_slice %arg9[%dma_start3A_243] : memref<2x!tpu.dma_semaphore, #tpu.memory_space<semaphore_mem>> -> memref<1x!tpu.dma_semaphore, #tpu.memory_space<semaphore_mem>>
        %dma_start3A_249 = tpu.memref_squeeze %dma_start3A_248 : memref<1x!tpu.dma_semaphore, #tpu.memory_space<semaphore_mem>> -> memref<!tpu.dma_semaphore, #tpu.memory_space<semaphore_mem>>
        %dma_start3A_250 = arith.constant 0 : i32
        %dma_start3A_251 = tpu.memref_slice %arg6[%dma_start3A_242, %dma_start3A_250] : memref<2x4096xi32, #tpu.memory_space<vmem>> -> memref<1x4096xi32, #tpu.memory_space<vmem>>
        %dma_start3A_252 = tpu.memref_squeeze %dma_start3A_251 : memref<1x4096xi32, #tpu.memory_space<vmem>> -> memref<4096xi32, #tpu.memory_space<vmem>>
        %dma_start3A_253 = tpu.memref_slice %arg3[%mul3A_241] : memref<163840xi32, #tpu.memory_space<hbm>> -> memref<4096xi32, #tpu.memory_space<hbm>>
        tpu.enqueue_dma source(%dma_start3A_253 : memref<4096xi32, #tpu.memory_space<hbm>>) target(%dma_start3A_252 : memref<4096xi32, #tpu.memory_space<vmem>>) target_semaphore(%dma_start3A_249 : memref<!tpu.dma_semaphore, #tpu.memory_space<semaphore_mem>>)
      } else {
      }
    }
    %scan3A_140 = arith.constant 20 : i32
    %mul3A_141 = arith.constant 2560 : i32
    %mul3A_142 = arith.muli %add3A_75, %mul3A_141 : i32
    "tpu.region"() ({
      %run_scoped3A = tpu.sem_alloc : memref<!tpu.dma_semaphore, #tpu.memory_space<semaphore_mem>>
      %dma_start3A_143 = tpu.memref_slice %arg4[%mul3A_142] : memref<6553600xf32, #tpu.memory_space<hbm>> -> memref<102400xf32, #tpu.memory_space<hbm>>
      %dma_start3A_144 = tpu.memref_slice %arg4[%mul3A_142] : memref<6553600xf32, #tpu.memory_space<hbm>> -> memref<102400xf32, #tpu.memory_space<hbm>>
      tpu.enqueue_dma source(%arg7 : memref<102400xf32, #tpu.memory_space<vmem>>) target(%dma_start3A_144 : memref<102400xf32, #tpu.memory_space<hbm>>) target_semaphore(%run_scoped3A : memref<!tpu.dma_semaphore, #tpu.memory_space<semaphore_mem>>)
      %dma_wait3A = tpu.memref_slice %arg4[%mul3A_142] : memref<6553600xf32, #tpu.memory_space<hbm>> -> memref<102400xf32, #tpu.memory_space<hbm>>
      %dma_wait3A_145 = tpu.memref_slice %arg4[%mul3A_142] : memref<6553600xf32, #tpu.memory_space<hbm>> -> memref<102400xf32, #tpu.memory_space<hbm>>
      tpu.wait_dma2 semaphore(%run_scoped3A : memref<!tpu.dma_semaphore, #tpu.memory_space<semaphore_mem>>) src(%arg7 : memref<102400xf32, #tpu.memory_space<vmem>>) dst(%dma_wait3A_145 : memref<102400xf32, #tpu.memory_space<hbm>>)
      tpu.yield
    }) : () -> ()
    return
  }
}

module attributes {stable_mosaic.version = 14 : i64} {
  func.func @_prep1_body(%arg0: memref<2560x128xf32, #tpu.memory_space<vmem>>, %arg1: memref<128x256xf32, #tpu.memory_space<vmem>>, %arg2: memref<256x8xf32, #tpu.memory_space<vmem>>, %arg3: memref<2560x256xf32, #tpu.memory_space<vmem>>, %arg4: memref<2560x8xf32, #tpu.memory_space<vmem>>) attributes {dimension_semantics = [], scalar_prefetch = 0 : i64, scratch_operands = 0 : i64, tpu.core_type = #tpu.core_type<tc>} {
    %get3A = arith.constant 0 : index
    %get3A_0 = arith.constant 0 : index
    %get3A_1 = vector.load %arg0[%get3A, %get3A_0] : memref<2560x128xf32, #tpu.memory_space<vmem>>, vector<2560x128xf32>
    %get3A_2 = arith.constant 0 : index
    %get3A_3 = arith.constant 0 : index
    %get3A_4 = vector.load %arg1[%get3A_2, %get3A_3] : memref<128x256xf32, #tpu.memory_space<vmem>>, vector<128x256xf32>
    %dot_general3A = arith.constant dense<0.000000e+00> : vector<2560x256xf32>
    %dot_general3A_5 = tpu.matmul %get3A_1, %get3A_4, %dot_general3A {dimension_numbers = #tpu.dot_dimension_numbers<[1], [0], [0], [1], [0, 0, 1, 1], [], []>, transpose_lhs_hint = false} : vector<2560x128xf32>, vector<128x256xf32>, vector<2560x256xf32> -> vector<2560x256xf32>
    %swap3A = arith.constant 0 : index
    %swap3A_6 = arith.constant 0 : index
    %swap3A_7 = vector.load %arg3[%swap3A, %swap3A_6] : memref<2560x256xf32, #tpu.memory_space<vmem>>, vector<2560x256xf32>
    tpu.vector_store %arg3[%swap3A, %swap3A_6], %dot_general3A_5 {strides = array<i32>} : memref<2560x256xf32, #tpu.memory_space<vmem>>, vector<2560x256xf32>,
    %get3A_8 = arith.constant 0 : index
    %get3A_9 = arith.constant 0 : index
    %get3A_10 = vector.load %arg2[%get3A_8, %get3A_9] : memref<256x8xf32, #tpu.memory_space<vmem>>, vector<256x8xf32>
    %dot_general3A_11 = arith.constant dense<0.000000e+00> : vector<2560x8xf32>
    %dot_general3A_12 = tpu.matmul %dot_general3A_5, %get3A_10, %dot_general3A_11 {dimension_numbers = #tpu.dot_dimension_numbers<[1], [0], [0], [1], [0, 0, 1, 1], [], []>, precision = #tpu.contract_precision<fp32>, transpose_lhs_hint = false} : vector<2560x256xf32>, vector<256x8xf32>, vector<2560x8xf32> -> vector<2560x8xf32>
    %swap3A_13 = arith.constant 0 : index
    %swap3A_14 = arith.constant 0 : index
    %swap3A_15 = vector.load %arg4[%swap3A_13, %swap3A_14] : memref<2560x8xf32, #tpu.memory_space<vmem>>, vector<2560x8xf32>
    tpu.vector_store %arg4[%swap3A_13, %swap3A_14], %dot_general3A_12 {strides = array<i32>} : memref<2560x8xf32, #tpu.memory_space<vmem>>, vector<2560x8xf32>,
    return
  }
}

module attributes {stable_mosaic.version = 14 : i64} {
  func.func @_att_body(%arg0: i32, %arg1: memref<512x2560xf32, #tpu.memory_space<vmem>>, %arg2: memref<8x2560xf32, #tpu.memory_space<vmem>>, %arg3: memref<2560x8xf32, #tpu.memory_space<vmem>>, %arg4: memref<2560x256xf32, #tpu.memory_space<vmem>>, %arg5: memref<1x256xf32, #tpu.memory_space<vmem>>, %arg6: memref<512x256xf32, #tpu.memory_space<vmem>>) attributes {dimension_semantics = [#tpu.dimension_semantics<arbitrary>], iteration_bounds = array<i64: 5>, scalar_prefetch = 0 : i64, scratch_operands = 0 : i64, tpu.core_type = #tpu.core_type<tc>, window_params = [{transform_indices = @transform_0, window_bounds = array<i64: 512, 2560>}, {pipeline_mode = #tpu.pipeline_mode<synchronous>, transform_indices = @transform_1, window_bounds = array<i64: 8, 2560>}, {pipeline_mode = #tpu.pipeline_mode<synchronous>, transform_indices = @transform_2, window_bounds = array<i64: 2560, 8>}, {pipeline_mode = #tpu.pipeline_mode<synchronous>, transform_indices = @transform_3, window_bounds = array<i64: 2560, 256>}, {pipeline_mode = #tpu.pipeline_mode<synchronous>, transform_indices = @transform_4, window_bounds = array<i64: 1, 256>}, {transform_indices = @transform_5, window_bounds = array<i64: 512, 256>}]} {
    %get3A = arith.constant 0 : index
    %get3A_0 = arith.constant 0 : index
    %get3A_1 = vector.load %arg1[%get3A, %get3A_0] : memref<512x2560xf32, #tpu.memory_space<vmem>>, vector<512x2560xf32>
    %get3A_2 = arith.constant 0 : index
    %get3A_3 = arith.constant 0 : index
    %get3A_4 = vector.load %arg2[%get3A_2, %get3A_3] : memref<8x2560xf32, #tpu.memory_space<vmem>>, vector<1x2560xf32>
    %mul3A = arith.constant 512 : i32
    %mul3A_5 = arith.muli %arg0, %mul3A : i32
    %get3A_6 = arith.index_cast %mul3A_5 : i32 to index
    %get3A_7 = arith.constant 4 : index
    %get3A_8 = vector.load %arg3[%get3A_6, %get3A_7] : memref<2560x8xf32, #tpu.memory_space<vmem>>, vector<512x1xf32>
    %reduce_max3A = arith.constant dense<0xFF800000> : vector<1xf32>
    %reduce_max3A_9 = vector.multi_reduction <maximumf>, %get3A_4, %reduce_max3A [1] : vector<1x2560xf32> to vector<1xf32>
    %broadcast_in_dim3A = vector.shape_cast %reduce_max3A_9 : vector<1xf32> to vector<1x1xf32>
    %add3A = vector.broadcast %get3A_4 : vector<1x2560xf32> to vector<512x2560xf32>
    %add3A_10 = vector.broadcast %get3A_8 : vector<512x1xf32> to vector<512x2560xf32>
    %add3A_11 = arith.addf %add3A, %add3A_10 : vector<512x2560xf32>
    %ge3A = arith.constant 0.000000e+00 : f32
    %ge3A_12 = vector.broadcast %ge3A : f32 to vector<512x2560xf32>
    %ge3A_13 = arith.cmpf oge, %add3A_11, %ge3A_12 : vector<512x2560xf32>
    %mul3A_14 = arith.constant 2.000000e-01 : f32
    %mul3A_15 = vector.broadcast %mul3A_14 : f32 to vector<512x2560xf32>
    %mul3A_16 = arith.mulf %mul3A_15, %add3A_11 : vector<512x2560xf32>
    %select_n3A = arith.select %ge3A_13, %add3A_11, %mul3A_16 : vector<512x2560xi1>, vector<512x2560xf32>
    %add3A_17 = vector.broadcast %broadcast_in_dim3A : vector<1x1xf32> to vector<512x1xf32>
    %add3A_18 = arith.addf %add3A_17, %get3A_8 : vector<512x1xf32>
    %ge3A_19 = arith.constant 0.000000e+00 : f32
    %ge3A_20 = vector.broadcast %ge3A_19 : f32 to vector<512x1xf32>
    %ge3A_21 = arith.cmpf oge, %add3A_18, %ge3A_20 : vector<512x1xf32>
    %mul3A_22 = arith.constant 2.000000e-01 : f32
    %mul3A_23 = vector.broadcast %mul3A_22 : f32 to vector<512x1xf32>
    %mul3A_24 = arith.mulf %mul3A_23, %add3A_18 : vector<512x1xf32>
    %select_n3A_25 = arith.select %ge3A_21, %add3A_18, %mul3A_24 : vector<512x1xi1>, vector<512x1xf32>
    %sub3A = vector.broadcast %select_n3A_25 : vector<512x1xf32> to vector<512x2560xf32>
    %sub3A_26 = arith.subf %select_n3A, %sub3A : vector<512x2560xf32>
    %exp3A = math.exp %sub3A_26 : vector<512x2560xf32>
    %mul3A_27 = arith.mulf %get3A_1, %exp3A : vector<512x2560xf32>
    %reduce_sum3A = arith.constant dense<0.000000e+00> : vector<512xf32>
    %reduce_sum3A_28 = vector.multi_reduction <add>, %mul3A_27, %reduce_sum3A [1] : vector<512x2560xf32> to vector<512xf32>
    %broadcast_in_dim3A_29 = vector.shape_cast %reduce_sum3A_28 : vector<512xf32> to vector<512x1xf32>
    %get3A_30 = arith.constant 0 : index
    %get3A_31 = arith.constant 0 : index
    %get3A_32 = vector.load %arg4[%get3A_30, %get3A_31] : memref<2560x256xf32, #tpu.memory_space<vmem>>, vector<2560x64xf32>
    %convert_element_type3A = arith.truncf %get3A_32 : vector<2560x64xf32> to vector<2560x64xbf16>
    %convert_element_type3A_33 = arith.extf %convert_element_type3A : vector<2560x64xbf16> to vector<2560x64xf32>
    %sub3A_34 = arith.subf %get3A_32, %convert_element_type3A_33 : vector<2560x64xf32>
    %convert_element_type3A_35 = arith.truncf %sub3A_34 : vector<2560x64xf32> to vector<2560x64xbf16>
    %convert_element_type3A_36 = arith.truncf %mul3A_27 : vector<512x2560xf32> to vector<512x2560xbf16>
    %convert_element_type3A_37 = arith.extf %convert_element_type3A_36 : vector<512x2560xbf16> to vector<512x2560xf32>
    %sub3A_38 = arith.subf %mul3A_27, %convert_element_type3A_37 : vector<512x2560xf32>
    %convert_element_type3A_39 = arith.truncf %sub3A_38 : vector<512x2560xf32> to vector<512x2560xbf16>
    %dot_general3A = arith.constant dense<0.000000e+00> : vector<512x64xf32>
    %dot_general3A_40 = tpu.matmul %convert_element_type3A_36, %convert_element_type3A, %dot_general3A {dimension_numbers = #tpu.dot_dimension_numbers<[1], [0], [0], [1], [0, 0, 1, 1], [], []>, transpose_lhs_hint = false} : vector<512x2560xbf16>, vector<2560x64xbf16>, vector<512x64xf32> -> vector<512x64xf32>
    %dot_general3A_41 = arith.constant dense<0.000000e+00> : vector<512x64xf32>
    %dot_general3A_42 = tpu.matmul %convert_element_type3A_39, %convert_element_type3A, %dot_general3A_41 {dimension_numbers = #tpu.dot_dimension_numbers<[1], [0], [0], [1], [0, 0, 1, 1], [], []>, transpose_lhs_hint = false} : vector<512x2560xbf16>, vector<2560x64xbf16>, vector<512x64xf32> -> vector<512x64xf32>
    %add3A_43 = arith.addf %dot_general3A_40, %dot_general3A_42 : vector<512x64xf32>
    %dot_general3A_44 = arith.constant dense<0.000000e+00> : vector<512x64xf32>
    %dot_general3A_45 = tpu.matmul %convert_element_type3A_36, %convert_element_type3A_35, %dot_general3A_44 {dimension_numbers = #tpu.dot_dimension_numbers<[1], [0], [0], [1], [0, 0, 1, 1], [], []>, transpose_lhs_hint = false} : vector<512x2560xbf16>, vector<2560x64xbf16>, vector<512x64xf32> -> vector<512x64xf32>
    %add3A_46 = arith.addf %add3A_43, %dot_general3A_45 : vector<512x64xf32>
    %add3A_47 = arith.constant 1.000000e-16 : f32
    %add3A_48 = vector.broadcast %add3A_47 : f32 to vector<512x1xf32>
    %add3A_49 = arith.addf %broadcast_in_dim3A_29, %add3A_48 : vector<512x1xf32>
    %div3A = vector.broadcast %add3A_49 : vector<512x1xf32> to vector<512x64xf32>
    %div3A_50 = arith.divf %add3A_46, %div3A : vector<512x64xf32>
    %get3A_51 = arith.constant 1 : index
    %get3A_52 = arith.constant 0 : index
    %get3A_53 = vector.load %arg2[%get3A_51, %get3A_52] : memref<8x2560xf32, #tpu.memory_space<vmem>>, vector<1x2560xf32>
    %mul3A_54 = arith.constant 512 : i32
    %mul3A_55 = arith.muli %arg0, %mul3A_54 : i32
    %get3A_56 = arith.index_cast %mul3A_55 : i32 to index
    %get3A_57 = arith.constant 5 : index
    %get3A_58 = vector.load %arg3[%get3A_56, %get3A_57] : memref<2560x8xf32, #tpu.memory_space<vmem>>, vector<512x1xf32>
    %reduce_max3A_59 = arith.constant dense<0xFF800000> : vector<1xf32>
    %reduce_max3A_60 = vector.multi_reduction <maximumf>, %get3A_53, %reduce_max3A_59 [1] : vector<1x2560xf32> to vector<1xf32>
    %broadcast_in_dim3A_61 = vector.shape_cast %reduce_max3A_60 : vector<1xf32> to vector<1x1xf32>
    %add3A_62 = vector.broadcast %get3A_53 : vector<1x2560xf32> to vector<512x2560xf32>
    %add3A_63 = vector.broadcast %get3A_58 : vector<512x1xf32> to vector<512x2560xf32>
    %add3A_64 = arith.addf %add3A_62, %add3A_63 : vector<512x2560xf32>
    %ge3A_65 = arith.constant 0.000000e+00 : f32
    %ge3A_66 = vector.broadcast %ge3A_65 : f32 to vector<512x2560xf32>
    %ge3A_67 = arith.cmpf oge, %add3A_64, %ge3A_66 : vector<512x2560xf32>
    %mul3A_68 = arith.constant 2.000000e-01 : f32
    %mul3A_69 = vector.broadcast %mul3A_68 : f32 to vector<512x2560xf32>
    %mul3A_70 = arith.mulf %mul3A_69, %add3A_64 : vector<512x2560xf32>
    %select_n3A_71 = arith.select %ge3A_67, %add3A_64, %mul3A_70 : vector<512x2560xi1>, vector<512x2560xf32>
    %add3A_72 = vector.broadcast %broadcast_in_dim3A_61 : vector<1x1xf32> to vector<512x1xf32>
    %add3A_73 = arith.addf %add3A_72, %get3A_58 : vector<512x1xf32>
    %ge3A_74 = arith.constant 0.000000e+00 : f32
    %ge3A_75 = vector.broadcast %ge3A_74 : f32 to vector<512x1xf32>
    %ge3A_76 = arith.cmpf oge, %add3A_73, %ge3A_75 : vector<512x1xf32>
    %mul3A_77 = arith.constant 2.000000e-01 : f32
    %mul3A_78 = vector.broadcast %mul3A_77 : f32 to vector<512x1xf32>
    %mul3A_79 = arith.mulf %mul3A_78, %add3A_73 : vector<512x1xf32>
    %select_n3A_80 = arith.select %ge3A_76, %add3A_73, %mul3A_79 : vector<512x1xi1>, vector<512x1xf32>
    %sub3A_81 = vector.broadcast %select_n3A_80 : vector<512x1xf32> to vector<512x2560xf32>
    %sub3A_82 = arith.subf %select_n3A_71, %sub3A_81 : vector<512x2560xf32>
    %exp3A_83 = math.exp %sub3A_82 : vector<512x2560xf32>
    %mul3A_84 = arith.mulf %get3A_1, %exp3A_83 : vector<512x2560xf32>
    %reduce_sum3A_85 = arith.constant dense<0.000000e+00> : vector<512xf32>
    %reduce_sum3A_86 = vector.multi_reduction <add>, %mul3A_84, %reduce_sum3A_85 [1] : vector<512x2560xf32> to vector<512xf32>
    %broadcast_in_dim3A_87 = vector.shape_cast %reduce_sum3A_86 : vector<512xf32> to vector<512x1xf32>
    %get3A_88 = arith.constant 0 : index
    %get3A_89 = arith.constant 64 : index
    %get3A_90 = vector.load %arg4[%get3A_88, %get3A_89] : memref<2560x256xf32, #tpu.memory_space<vmem>>, vector<2560x64xf32>
    %convert_element_type3A_91 = arith.truncf %get3A_90 : vector<2560x64xf32> to vector<2560x64xbf16>
    %convert_element_type3A_92 = arith.extf %convert_element_type3A_91 : vector<2560x64xbf16> to vector<2560x64xf32>
    %sub3A_93 = arith.subf %get3A_90, %convert_element_type3A_92 : vector<2560x64xf32>
    %convert_element_type3A_94 = arith.truncf %sub3A_93 : vector<2560x64xf32> to vector<2560x64xbf16>
    %convert_element_type3A_95 = arith.truncf %mul3A_84 : vector<512x2560xf32> to vector<512x2560xbf16>
    %convert_element_type3A_96 = arith.extf %convert_element_type3A_95 : vector<512x2560xbf16> to vector<512x2560xf32>
    %sub3A_97 = arith.subf %mul3A_84, %convert_element_type3A_96 : vector<512x2560xf32>
    %convert_element_type3A_98 = arith.truncf %sub3A_97 : vector<512x2560xf32> to vector<512x2560xbf16>
    %dot_general3A_99 = arith.constant dense<0.000000e+00> : vector<512x64xf32>
    %dot_general3A_100 = tpu.matmul %convert_element_type3A_95, %convert_element_type3A_91, %dot_general3A_99 {dimension_numbers = #tpu.dot_dimension_numbers<[1], [0], [0], [1], [0, 0, 1, 1], [], []>, transpose_lhs_hint = false} : vector<512x2560xbf16>, vector<2560x64xbf16>, vector<512x64xf32> -> vector<512x64xf32>
    %dot_general3A_101 = arith.constant dense<0.000000e+00> : vector<512x64xf32>
    %dot_general3A_102 = tpu.matmul %convert_element_type3A_98, %convert_element_type3A_91, %dot_general3A_101 {dimension_numbers = #tpu.dot_dimension_numbers<[1], [0], [0], [1], [0, 0, 1, 1], [], []>, transpose_lhs_hint = false} : vector<512x2560xbf16>, vector<2560x64xbf16>, vector<512x64xf32> -> vector<512x64xf32>
    %add3A_103 = arith.addf %dot_general3A_100, %dot_general3A_102 : vector<512x64xf32>
    %dot_general3A_104 = arith.constant dense<0.000000e+00> : vector<512x64xf32>
    %dot_general3A_105 = tpu.matmul %convert_element_type3A_95, %convert_element_type3A_94, %dot_general3A_104 {dimension_numbers = #tpu.dot_dimension_numbers<[1], [0], [0], [1], [0, 0, 1, 1], [], []>, transpose_lhs_hint = false} : vector<512x2560xbf16>, vector<2560x64xbf16>, vector<512x64xf32> -> vector<512x64xf32>
    %add3A_106 = arith.addf %add3A_103, %dot_general3A_105 : vector<512x64xf32>
    %add3A_107 = arith.constant 1.000000e-16 : f32
    %add3A_108 = vector.broadcast %add3A_107 : f32 to vector<512x1xf32>
    %add3A_109 = arith.addf %broadcast_in_dim3A_87, %add3A_108 : vector<512x1xf32>
    %div3A_110 = vector.broadcast %add3A_109 : vector<512x1xf32> to vector<512x64xf32>
    %div3A_111 = arith.divf %add3A_106, %div3A_110 : vector<512x64xf32>
    %get3A_112 = arith.constant 2 : index
    %get3A_113 = arith.constant 0 : index
    %get3A_114 = vector.load %arg2[%get3A_112, %get3A_113] : memref<8x2560xf32, #tpu.memory_space<vmem>>, vector<1x2560xf32>
    %mul3A_115 = arith.constant 512 : i32
    %mul3A_116 = arith.muli %arg0, %mul3A_115 : i32
    %get3A_117 = arith.index_cast %mul3A_116 : i32 to index
    %get3A_118 = arith.constant 6 : index
    %get3A_119 = vector.load %arg3[%get3A_117, %get3A_118] : memref<2560x8xf32, #tpu.memory_space<vmem>>, vector<512x1xf32>
    %reduce_max3A_120 = arith.constant dense<0xFF800000> : vector<1xf32>
    %reduce_max3A_121 = vector.multi_reduction <maximumf>, %get3A_114, %reduce_max3A_120 [1] : vector<1x2560xf32> to vector<1xf32>
    %broadcast_in_dim3A_122 = vector.shape_cast %reduce_max3A_121 : vector<1xf32> to vector<1x1xf32>
    %add3A_123 = vector.broadcast %get3A_114 : vector<1x2560xf32> to vector<512x2560xf32>
    %add3A_124 = vector.broadcast %get3A_119 : vector<512x1xf32> to vector<512x2560xf32>
    %add3A_125 = arith.addf %add3A_123, %add3A_124 : vector<512x2560xf32>
    %ge3A_126 = arith.constant 0.000000e+00 : f32
    %ge3A_127 = vector.broadcast %ge3A_126 : f32 to vector<512x2560xf32>
    %ge3A_128 = arith.cmpf oge, %add3A_125, %ge3A_127 : vector<512x2560xf32>
    %mul3A_129 = arith.constant 2.000000e-01 : f32
    %mul3A_130 = vector.broadcast %mul3A_129 : f32 to vector<512x2560xf32>
    %mul3A_131 = arith.mulf %mul3A_130, %add3A_125 : vector<512x2560xf32>
    %select_n3A_132 = arith.select %ge3A_128, %add3A_125, %mul3A_131 : vector<512x2560xi1>, vector<512x2560xf32>
    %add3A_133 = vector.broadcast %broadcast_in_dim3A_122 : vector<1x1xf32> to vector<512x1xf32>
    %add3A_134 = arith.addf %add3A_133, %get3A_119 : vector<512x1xf32>
    %ge3A_135 = arith.constant 0.000000e+00 : f32
    %ge3A_136 = vector.broadcast %ge3A_135 : f32 to vector<512x1xf32>
    %ge3A_137 = arith.cmpf oge, %add3A_134, %ge3A_136 : vector<512x1xf32>
    %mul3A_138 = arith.constant 2.000000e-01 : f32
    %mul3A_139 = vector.broadcast %mul3A_138 : f32 to vector<512x1xf32>
    %mul3A_140 = arith.mulf %mul3A_139, %add3A_134 : vector<512x1xf32>
    %select_n3A_141 = arith.select %ge3A_137, %add3A_134, %mul3A_140 : vector<512x1xi1>, vector<512x1xf32>
    %sub3A_142 = vector.broadcast %select_n3A_141 : vector<512x1xf32> to vector<512x2560xf32>
    %sub3A_143 = arith.subf %select_n3A_132, %sub3A_142 : vector<512x2560xf32>
    %exp3A_144 = math.exp %sub3A_143 : vector<512x2560xf32>
    %mul3A_145 = arith.mulf %get3A_1, %exp3A_144 : vector<512x2560xf32>
    %reduce_sum3A_146 = arith.constant dense<0.000000e+00> : vector<512xf32>
    %reduce_sum3A_147 = vector.multi_reduction <add>, %mul3A_145, %reduce_sum3A_146 [1] : vector<512x2560xf32> to vector<512xf32>
    %broadcast_in_dim3A_148 = vector.shape_cast %reduce_sum3A_147 : vector<512xf32> to vector<512x1xf32>
    %get3A_149 = arith.constant 0 : index
    %get3A_150 = arith.constant 128 : index
    %get3A_151 = vector.load %arg4[%get3A_149, %get3A_150] : memref<2560x256xf32, #tpu.memory_space<vmem>>, vector<2560x64xf32>
    %convert_element_type3A_152 = arith.truncf %get3A_151 : vector<2560x64xf32> to vector<2560x64xbf16>
    %convert_element_type3A_153 = arith.extf %convert_element_type3A_152 : vector<2560x64xbf16> to vector<2560x64xf32>
    %sub3A_154 = arith.subf %get3A_151, %convert_element_type3A_153 : vector<2560x64xf32>
    %convert_element_type3A_155 = arith.truncf %sub3A_154 : vector<2560x64xf32> to vector<2560x64xbf16>
    %convert_element_type3A_156 = arith.truncf %mul3A_145 : vector<512x2560xf32> to vector<512x2560xbf16>
    %convert_element_type3A_157 = arith.extf %convert_element_type3A_156 : vector<512x2560xbf16> to vector<512x2560xf32>
    %sub3A_158 = arith.subf %mul3A_145, %convert_element_type3A_157 : vector<512x2560xf32>
    %convert_element_type3A_159 = arith.truncf %sub3A_158 : vector<512x2560xf32> to vector<512x2560xbf16>
    %dot_general3A_160 = arith.constant dense<0.000000e+00> : vector<512x64xf32>
    %dot_general3A_161 = tpu.matmul %convert_element_type3A_156, %convert_element_type3A_152, %dot_general3A_160 {dimension_numbers = #tpu.dot_dimension_numbers<[1], [0], [0], [1], [0, 0, 1, 1], [], []>, transpose_lhs_hint = false} : vector<512x2560xbf16>, vector<2560x64xbf16>, vector<512x64xf32> -> vector<512x64xf32>
    %dot_general3A_162 = arith.constant dense<0.000000e+00> : vector<512x64xf32>
    %dot_general3A_163 = tpu.matmul %convert_element_type3A_159, %convert_element_type3A_152, %dot_general3A_162 {dimension_numbers = #tpu.dot_dimension_numbers<[1], [0], [0], [1], [0, 0, 1, 1], [], []>, transpose_lhs_hint = false} : vector<512x2560xbf16>, vector<2560x64xbf16>, vector<512x64xf32> -> vector<512x64xf32>
    %add3A_164 = arith.addf %dot_general3A_161, %dot_general3A_163 : vector<512x64xf32>
    %dot_general3A_165 = arith.constant dense<0.000000e+00> : vector<512x64xf32>
    %dot_general3A_166 = tpu.matmul %convert_element_type3A_156, %convert_element_type3A_155, %dot_general3A_165 {dimension_numbers = #tpu.dot_dimension_numbers<[1], [0], [0], [1], [0, 0, 1, 1], [], []>, transpose_lhs_hint = false} : vector<512x2560xbf16>, vector<2560x64xbf16>, vector<512x64xf32> -> vector<512x64xf32>
    %add3A_167 = arith.addf %add3A_164, %dot_general3A_166 : vector<512x64xf32>
    %add3A_168 = arith.constant 1.000000e-16 : f32
    %add3A_169 = vector.broadcast %add3A_168 : f32 to vector<512x1xf32>
    %add3A_170 = arith.addf %broadcast_in_dim3A_148, %add3A_169 : vector<512x1xf32>
    %div3A_171 = vector.broadcast %add3A_170 : vector<512x1xf32> to vector<512x64xf32>
    %div3A_172 = arith.divf %add3A_167, %div3A_171 : vector<512x64xf32>
    %get3A_173 = arith.constant 3 : index
    %get3A_174 = arith.constant 0 : index
    %get3A_175 = vector.load %arg2[%get3A_173, %get3A_174] : memref<8x2560xf32, #tpu.memory_space<vmem>>, vector<1x2560xf32>
    %mul3A_176 = arith.constant 512 : i32
    %mul3A_177 = arith.muli %arg0, %mul3A_176 : i32
    %get3A_178 = arith.index_cast %mul3A_177 : i32 to index
    %get3A_179 = arith.constant 7 : index
    %get3A_180 = vector.load %arg3[%get3A_178, %get3A_179] : memref<2560x8xf32, #tpu.memory_space<vmem>>, vector<512x1xf32>
    %reduce_max3A_181 = arith.constant dense<0xFF800000> : vector<1xf32>
    %reduce_max3A_182 = vector.multi_reduction <maximumf>, %get3A_175, %reduce_max3A_181 [1] : vector<1x2560xf32> to vector<1xf32>
    %broadcast_in_dim3A_183 = vector.shape_cast %reduce_max3A_182 : vector<1xf32> to vector<1x1xf32>
    %add3A_184 = vector.broadcast %get3A_175 : vector<1x2560xf32> to vector<512x2560xf32>
    %add3A_185 = vector.broadcast %get3A_180 : vector<512x1xf32> to vector<512x2560xf32>
    %add3A_186 = arith.addf %add3A_184, %add3A_185 : vector<512x2560xf32>
    %ge3A_187 = arith.constant 0.000000e+00 : f32
    %ge3A_188 = vector.broadcast %ge3A_187 : f32 to vector<512x2560xf32>
    %ge3A_189 = arith.cmpf oge, %add3A_186, %ge3A_188 : vector<512x2560xf32>
    %mul3A_190 = arith.constant 2.000000e-01 : f32
    %mul3A_191 = vector.broadcast %mul3A_190 : f32 to vector<512x2560xf32>
    %mul3A_192 = arith.mulf %mul3A_191, %add3A_186 : vector<512x2560xf32>
    %select_n3A_193 = arith.select %ge3A_189, %add3A_186, %mul3A_192 : vector<512x2560xi1>, vector<512x2560xf32>
    %add3A_194 = vector.broadcast %broadcast_in_dim3A_183 : vector<1x1xf32> to vector<512x1xf32>
    %add3A_195 = arith.addf %add3A_194, %get3A_180 : vector<512x1xf32>
    %ge3A_196 = arith.constant 0.000000e+00 : f32
    %ge3A_197 = vector.broadcast %ge3A_196 : f32 to vector<512x1xf32>
    %ge3A_198 = arith.cmpf oge, %add3A_195, %ge3A_197 : vector<512x1xf32>
    %mul3A_199 = arith.constant 2.000000e-01 : f32
    %mul3A_200 = vector.broadcast %mul3A_199 : f32 to vector<512x1xf32>
    %mul3A_201 = arith.mulf %mul3A_200, %add3A_195 : vector<512x1xf32>
    %select_n3A_202 = arith.select %ge3A_198, %add3A_195, %mul3A_201 : vector<512x1xi1>, vector<512x1xf32>
    %sub3A_203 = vector.broadcast %select_n3A_202 : vector<512x1xf32> to vector<512x2560xf32>
    %sub3A_204 = arith.subf %select_n3A_193, %sub3A_203 : vector<512x2560xf32>
    %exp3A_205 = math.exp %sub3A_204 : vector<512x2560xf32>
    %mul3A_206 = arith.mulf %get3A_1, %exp3A_205 : vector<512x2560xf32>
    %reduce_sum3A_207 = arith.constant dense<0.000000e+00> : vector<512xf32>
    %reduce_sum3A_208 = vector.multi_reduction <add>, %mul3A_206, %reduce_sum3A_207 [1] : vector<512x2560xf32> to vector<512xf32>
    %broadcast_in_dim3A_209 = vector.shape_cast %reduce_sum3A_208 : vector<512xf32> to vector<512x1xf32>
    %get3A_210 = arith.constant 0 : index
    %get3A_211 = arith.constant 192 : index
    %get3A_212 = vector.load %arg4[%get3A_210, %get3A_211] : memref<2560x256xf32, #tpu.memory_space<vmem>>, vector<2560x64xf32>
    %convert_element_type3A_213 = arith.truncf %get3A_212 : vector<2560x64xf32> to vector<2560x64xbf16>
    %convert_element_type3A_214 = arith.extf %convert_element_type3A_213 : vector<2560x64xbf16> to vector<2560x64xf32>
    %sub3A_215 = arith.subf %get3A_212, %convert_element_type3A_214 : vector<2560x64xf32>
    %convert_element_type3A_216 = arith.truncf %sub3A_215 : vector<2560x64xf32> to vector<2560x64xbf16>
    %convert_element_type3A_217 = arith.truncf %mul3A_206 : vector<512x2560xf32> to vector<512x2560xbf16>
    %convert_element_type3A_218 = arith.extf %convert_element_type3A_217 : vector<512x2560xbf16> to vector<512x2560xf32>
    %sub3A_219 = arith.subf %mul3A_206, %convert_element_type3A_218 : vector<512x2560xf32>
    %convert_element_type3A_220 = arith.truncf %sub3A_219 : vector<512x2560xf32> to vector<512x2560xbf16>
    %dot_general3A_221 = arith.constant dense<0.000000e+00> : vector<512x64xf32>
    %dot_general3A_222 = tpu.matmul %convert_element_type3A_217, %convert_element_type3A_213, %dot_general3A_221 {dimension_numbers = #tpu.dot_dimension_numbers<[1], [0], [0], [1], [0, 0, 1, 1], [], []>, transpose_lhs_hint = false} : vector<512x2560xbf16>, vector<2560x64xbf16>, vector<512x64xf32> -> vector<512x64xf32>
    %dot_general3A_223 = arith.constant dense<0.000000e+00> : vector<512x64xf32>
    %dot_general3A_224 = tpu.matmul %convert_element_type3A_220, %convert_element_type3A_213, %dot_general3A_223 {dimension_numbers = #tpu.dot_dimension_numbers<[1], [0], [0], [1], [0, 0, 1, 1], [], []>, transpose_lhs_hint = false} : vector<512x2560xbf16>, vector<2560x64xbf16>, vector<512x64xf32> -> vector<512x64xf32>
    %add3A_225 = arith.addf %dot_general3A_222, %dot_general3A_224 : vector<512x64xf32>
    %dot_general3A_226 = arith.constant dense<0.000000e+00> : vector<512x64xf32>
    %dot_general3A_227 = tpu.matmul %convert_element_type3A_217, %convert_element_type3A_216, %dot_general3A_226 {dimension_numbers = #tpu.dot_dimension_numbers<[1], [0], [0], [1], [0, 0, 1, 1], [], []>, transpose_lhs_hint = false} : vector<512x2560xbf16>, vector<2560x64xbf16>, vector<512x64xf32> -> vector<512x64xf32>
    %add3A_228 = arith.addf %add3A_225, %dot_general3A_227 : vector<512x64xf32>
    %add3A_229 = arith.constant 1.000000e-16 : f32
    %add3A_230 = vector.broadcast %add3A_229 : f32 to vector<512x1xf32>
    %add3A_231 = arith.addf %broadcast_in_dim3A_209, %add3A_230 : vector<512x1xf32>
    %div3A_232 = vector.broadcast %add3A_231 : vector<512x1xf32> to vector<512x64xf32>
    %div3A_233 = arith.divf %add3A_228, %div3A_232 : vector<512x64xf32>
    %concatenate3A = tpu.concatenate %div3A_50, %div3A_111, %div3A_172, %div3A_233 in 1 : vector<512x64xf32>, vector<512x64xf32>, vector<512x64xf32>, vector<512x64xf32> -> vector<512x256xf32>
    %get3A_234 = arith.constant 0 : index
    %get3A_235 = arith.constant 0 : index
    %get3A_236 = vector.load %arg5[%get3A_234, %get3A_235] : memref<1x256xf32, #tpu.memory_space<vmem>>, vector<1x256xf32>
    %add3A_237 = vector.broadcast %get3A_236 : vector<1x256xf32> to vector<512x256xf32>
    %add3A_238 = arith.addf %concatenate3A, %add3A_237 : vector<512x256xf32>
    %swap3A = arith.constant 0 : index
    %swap3A_239 = arith.constant 0 : index
    %swap3A_240 = vector.load %arg6[%swap3A, %swap3A_239] : memref<512x256xf32, #tpu.memory_space<vmem>>, vector<512x256xf32>
    tpu.vector_store %arg6[%swap3A, %swap3A_239], %add3A_238 {strides = array<i32>} : memref<512x256xf32, #tpu.memory_space<vmem>>, vector<512x256xf32>,
    return
  }
  func.func @transform_0(%arg0: i32) -> (i32, i32) {
    %c0_i32 = arith.constant 0 : i32
    %c0_i32_0 = arith.constant 0 : i32
    return %arg0, %c0_i32 : i32, i32
  }
  func.func @transform_1(%arg0: i32) -> (i32, i32) {
    %c0_i32 = arith.constant 0 : i32
    %c0_i32_0 = arith.constant 0 : i32
    %c0_i32_1 = arith.constant 0 : i32
    return %c0_i32, %c0_i32_0 : i32, i32
  }
  func.func @transform_2(%arg0: i32) -> (i32, i32) {
    %c0_i32 = arith.constant 0 : i32
    %c0_i32_0 = arith.constant 0 : i32
    %c0_i32_1 = arith.constant 0 : i32
    return %c0_i32, %c0_i32_0 : i32, i32
  }
  func.func @transform_3(%arg0: i32) -> (i32, i32) {
    %c0_i32 = arith.constant 0 : i32
    %c0_i32_0 = arith.constant 0 : i32
    %c0_i32_1 = arith.constant 0 : i32
    return %c0_i32, %c0_i32_0 : i32, i32
  }
  func.func @transform_4(%arg0: i32) -> (i32, i32) {
    %c0_i32 = arith.constant 0 : i32
    %c0_i32_0 = arith.constant 0 : i32
    %c0_i32_1 = arith.constant 0 : i32
    return %c0_i32, %c0_i32_0 : i32, i32
  }
  func.func @transform_5(%arg0: i32) -> (i32, i32) {
    %c0_i32 = arith.constant 0 : i32
    %c0_i32_0 = arith.constant 0 : i32
    return %arg0, %c0_i32 : i32, i32
  }
}

module attributes {stable_mosaic.version = 14 : i64} {
  func.func @_prep_bn_body(%arg0: memref<2560x256xf32, #tpu.memory_space<vmem>>, %arg1: memref<1x256xf32, #tpu.memory_space<vmem>>, %arg2: memref<1x256xf32, #tpu.memory_space<vmem>>, %arg3: memref<256x256xf32, #tpu.memory_space<vmem>>, %arg4: memref<256x8xf32, #tpu.memory_space<vmem>>, %arg5: memref<2560x256xf32, #tpu.memory_space<vmem>>, %arg6: memref<2560x8xf32, #tpu.memory_space<vmem>>) attributes {dimension_semantics = [], scalar_prefetch = 0 : i64, scratch_operands = 0 : i64, tpu.core_type = #tpu.core_type<tc>} {
    %get3A = arith.constant 0 : index
    %get3A_0 = arith.constant 0 : index
    %get3A_1 = vector.load %arg0[%get3A, %get3A_0] : memref<2560x256xf32, #tpu.memory_space<vmem>>, vector<2560x256xf32>
    %reduce_sum3A = arith.constant dense<0.000000e+00> : vector<256xf32>
    %reduce_sum3A_2 = vector.multi_reduction <add>, %get3A_1, %reduce_sum3A [0] : vector<2560x256xf32> to vector<256xf32>
    %broadcast_in_dim3A = vector.shape_cast %reduce_sum3A_2 : vector<256xf32> to vector<1x256xf32>
    %div3A = arith.constant 2.560000e+03 : f32
    %div3A_3 = vector.broadcast %div3A : f32 to vector<1x256xf32>
    %div3A_4 = arith.divf %broadcast_in_dim3A, %div3A_3 : vector<1x256xf32>
    %sub3A = vector.broadcast %div3A_4 : vector<1x256xf32> to vector<2560x256xf32>
    %sub3A_5 = arith.subf %get3A_1, %sub3A : vector<2560x256xf32>
    %sub3A_6 = vector.broadcast %div3A_4 : vector<1x256xf32> to vector<2560x256xf32>
    %sub3A_7 = arith.subf %get3A_1, %sub3A_6 : vector<2560x256xf32>
    %mul3A = arith.mulf %sub3A_5, %sub3A_7 : vector<2560x256xf32>
    %reduce_sum3A_8 = arith.constant dense<0.000000e+00> : vector<256xf32>
    %reduce_sum3A_9 = vector.multi_reduction <add>, %mul3A, %reduce_sum3A_8 [0] : vector<2560x256xf32> to vector<256xf32>
    %broadcast_in_dim3A_10 = vector.shape_cast %reduce_sum3A_9 : vector<256xf32> to vector<1x256xf32>
    %div3A_11 = arith.constant 2.560000e+03 : f32
    %div3A_12 = vector.broadcast %div3A_11 : f32 to vector<1x256xf32>
    %div3A_13 = arith.divf %broadcast_in_dim3A_10, %div3A_12 : vector<1x256xf32>
    %sub3A_14 = vector.broadcast %div3A_4 : vector<1x256xf32> to vector<2560x256xf32>
    %sub3A_15 = arith.subf %get3A_1, %sub3A_14 : vector<2560x256xf32>
    %add3A = arith.constant 9.99999974E-6 : f32
    %add3A_16 = vector.broadcast %add3A : f32 to vector<1x256xf32>
    %add3A_17 = arith.addf %div3A_13, %add3A_16 : vector<1x256xf32>
    %rsqrt3A = math.rsqrt %add3A_17 : vector<1x256xf32>
    %mul3A_18 = vector.broadcast %rsqrt3A : vector<1x256xf32> to vector<2560x256xf32>
    %mul3A_19 = arith.mulf %sub3A_15, %mul3A_18 : vector<2560x256xf32>
    %get3A_20 = arith.constant 0 : index
    %get3A_21 = arith.constant 0 : index
    %get3A_22 = vector.load %arg1[%get3A_20, %get3A_21] : memref<1x256xf32, #tpu.memory_space<vmem>>, vector<1x256xf32>
    %mul3A_23 = vector.broadcast %get3A_22 : vector<1x256xf32> to vector<2560x256xf32>
    %mul3A_24 = arith.mulf %mul3A_19, %mul3A_23 : vector<2560x256xf32>
    %get3A_25 = arith.constant 0 : index
    %get3A_26 = arith.constant 0 : index
    %get3A_27 = vector.load %arg2[%get3A_25, %get3A_26] : memref<1x256xf32, #tpu.memory_space<vmem>>, vector<1x256xf32>
    %add3A_28 = vector.broadcast %get3A_27 : vector<1x256xf32> to vector<2560x256xf32>
    %add3A_29 = arith.addf %mul3A_24, %add3A_28 : vector<2560x256xf32>
    %max3A = arith.constant 0.000000e+00 : f32
    %max3A_30 = vector.broadcast %max3A : f32 to vector<2560x256xf32>
    %max3A_31 = arith.maximumf %add3A_29, %max3A_30 : vector<2560x256xf32>
    %get3A_32 = arith.constant 0 : index
    %get3A_33 = arith.constant 0 : index
    %get3A_34 = vector.load %arg3[%get3A_32, %get3A_33] : memref<256x256xf32, #tpu.memory_space<vmem>>, vector<256x256xf32>
    %dot_general3A = arith.constant dense<0.000000e+00> : vector<2560x256xf32>
    %dot_general3A_35 = tpu.matmul %max3A_31, %get3A_34, %dot_general3A {dimension_numbers = #tpu.dot_dimension_numbers<[1], [0], [0], [1], [0, 0, 1, 1], [], []>, transpose_lhs_hint = false} : vector<2560x256xf32>, vector<256x256xf32>, vector<2560x256xf32> -> vector<2560x256xf32>
    %swap3A = arith.constant 0 : index
    %swap3A_36 = arith.constant 0 : index
    %swap3A_37 = vector.load %arg5[%swap3A, %swap3A_36] : memref<2560x256xf32, #tpu.memory_space<vmem>>, vector<2560x256xf32>
    tpu.vector_store %arg5[%swap3A, %swap3A_36], %dot_general3A_35 {strides = array<i32>} : memref<2560x256xf32, #tpu.memory_space<vmem>>, vector<2560x256xf32>,
    %get3A_38 = arith.constant 0 : index
    %get3A_39 = arith.constant 0 : index
    %get3A_40 = vector.load %arg4[%get3A_38, %get3A_39] : memref<256x8xf32, #tpu.memory_space<vmem>>, vector<256x8xf32>
    %dot_general3A_41 = arith.constant dense<0.000000e+00> : vector<2560x8xf32>
    %dot_general3A_42 = tpu.matmul %dot_general3A_35, %get3A_40, %dot_general3A_41 {dimension_numbers = #tpu.dot_dimension_numbers<[1], [0], [0], [1], [0, 0, 1, 1], [], []>, precision = #tpu.contract_precision<fp32>, transpose_lhs_hint = false} : vector<2560x256xf32>, vector<256x8xf32>, vector<2560x8xf32> -> vector<2560x8xf32>
    %swap3A_43 = arith.constant 0 : index
    %swap3A_44 = arith.constant 0 : index
    %swap3A_45 = vector.load %arg6[%swap3A_43, %swap3A_44] : memref<2560x8xf32, #tpu.memory_space<vmem>>, vector<2560x8xf32>
    tpu.vector_store %arg6[%swap3A_43, %swap3A_44], %dot_general3A_42 {strides = array<i32>} : memref<2560x8xf32, #tpu.memory_space<vmem>>, vector<2560x8xf32>,
    return
  }
}

module attributes {stable_mosaic.version = 14 : i64} {
  func.func @_final_body(%arg0: memref<2560x256xf32, #tpu.memory_space<vmem>>, %arg1: memref<1x256xf32, #tpu.memory_space<vmem>>, %arg2: memref<1x256xf32, #tpu.memory_space<vmem>>, %arg3: memref<256x128xf32, #tpu.memory_space<vmem>>, %arg4: memref<1x128xf32, #tpu.memory_space<vmem>>, %arg5: memref<2560x1xf32, #tpu.memory_space<vmem>>, %arg6: memref<2560x40xf32, #tpu.memory_space<vmem>>, %arg7: memref<2560x40xf32, #tpu.memory_space<vmem>>, %arg8: memref<3x128x40xf32, #tpu.memory_space<vmem>>, %arg9: memref<3x40x128xf32, #tpu.memory_space<vmem>>, %arg10: memref<2560x128xf32, #tpu.memory_space<vmem>>) attributes {dimension_semantics = [], scalar_prefetch = 0 : i64, scratch_operands = 0 : i64, tpu.core_type = #tpu.core_type<tc>} {
    %get3A = arith.constant 0 : index
    %get3A_0 = arith.constant 0 : index
    %get3A_1 = vector.load %arg0[%get3A, %get3A_0] : memref<2560x256xf32, #tpu.memory_space<vmem>>, vector<2560x256xf32>
    %reduce_sum3A = arith.constant dense<0.000000e+00> : vector<256xf32>
    %reduce_sum3A_2 = vector.multi_reduction <add>, %get3A_1, %reduce_sum3A [0] : vector<2560x256xf32> to vector<256xf32>
    %broadcast_in_dim3A = vector.shape_cast %reduce_sum3A_2 : vector<256xf32> to vector<1x256xf32>
    %div3A = arith.constant 2.560000e+03 : f32
    %div3A_3 = vector.broadcast %div3A : f32 to vector<1x256xf32>
    %div3A_4 = arith.divf %broadcast_in_dim3A, %div3A_3 : vector<1x256xf32>
    %sub3A = vector.broadcast %div3A_4 : vector<1x256xf32> to vector<2560x256xf32>
    %sub3A_5 = arith.subf %get3A_1, %sub3A : vector<2560x256xf32>
    %sub3A_6 = vector.broadcast %div3A_4 : vector<1x256xf32> to vector<2560x256xf32>
    %sub3A_7 = arith.subf %get3A_1, %sub3A_6 : vector<2560x256xf32>
    %mul3A = arith.mulf %sub3A_5, %sub3A_7 : vector<2560x256xf32>
    %reduce_sum3A_8 = arith.constant dense<0.000000e+00> : vector<256xf32>
    %reduce_sum3A_9 = vector.multi_reduction <add>, %mul3A, %reduce_sum3A_8 [0] : vector<2560x256xf32> to vector<256xf32>
    %broadcast_in_dim3A_10 = vector.shape_cast %reduce_sum3A_9 : vector<256xf32> to vector<1x256xf32>
    %div3A_11 = arith.constant 2.560000e+03 : f32
    %div3A_12 = vector.broadcast %div3A_11 : f32 to vector<1x256xf32>
    %div3A_13 = arith.divf %broadcast_in_dim3A_10, %div3A_12 : vector<1x256xf32>
    %sub3A_14 = vector.broadcast %div3A_4 : vector<1x256xf32> to vector<2560x256xf32>
    %sub3A_15 = arith.subf %get3A_1, %sub3A_14 : vector<2560x256xf32>
    %add3A = arith.constant 9.99999974E-6 : f32
    %add3A_16 = vector.broadcast %add3A : f32 to vector<1x256xf32>
    %add3A_17 = arith.addf %div3A_13, %add3A_16 : vector<1x256xf32>
    %rsqrt3A = math.rsqrt %add3A_17 : vector<1x256xf32>
    %mul3A_18 = vector.broadcast %rsqrt3A : vector<1x256xf32> to vector<2560x256xf32>
    %mul3A_19 = arith.mulf %sub3A_15, %mul3A_18 : vector<2560x256xf32>
    %get3A_20 = arith.constant 0 : index
    %get3A_21 = arith.constant 0 : index
    %get3A_22 = vector.load %arg1[%get3A_20, %get3A_21] : memref<1x256xf32, #tpu.memory_space<vmem>>, vector<1x256xf32>
    %mul3A_23 = vector.broadcast %get3A_22 : vector<1x256xf32> to vector<2560x256xf32>
    %mul3A_24 = arith.mulf %mul3A_19, %mul3A_23 : vector<2560x256xf32>
    %get3A_25 = arith.constant 0 : index
    %get3A_26 = arith.constant 0 : index
    %get3A_27 = vector.load %arg2[%get3A_25, %get3A_26] : memref<1x256xf32, #tpu.memory_space<vmem>>, vector<1x256xf32>
    %add3A_28 = vector.broadcast %get3A_27 : vector<1x256xf32> to vector<2560x256xf32>
    %add3A_29 = arith.addf %mul3A_24, %add3A_28 : vector<2560x256xf32>
    %max3A = arith.constant 0.000000e+00 : f32
    %max3A_30 = vector.broadcast %max3A : f32 to vector<2560x256xf32>
    %max3A_31 = arith.maximumf %add3A_29, %max3A_30 : vector<2560x256xf32>
    %get3A_32 = arith.constant 0 : index
    %get3A_33 = arith.constant 0 : index
    %get3A_34 = vector.load %arg3[%get3A_32, %get3A_33] : memref<256x128xf32, #tpu.memory_space<vmem>>, vector<256x128xf32>
    %dot_general3A = arith.constant dense<0.000000e+00> : vector<2560x128xf32>
    %dot_general3A_35 = tpu.matmul %max3A_31, %get3A_34, %dot_general3A {dimension_numbers = #tpu.dot_dimension_numbers<[1], [0], [0], [1], [0, 0, 1, 1], [], []>, transpose_lhs_hint = false} : vector<2560x256xf32>, vector<256x128xf32>, vector<2560x128xf32> -> vector<2560x128xf32>
    %get3A_36 = arith.constant 0 : index
    %get3A_37 = arith.constant 0 : index
    %get3A_38 = vector.load %arg4[%get3A_36, %get3A_37] : memref<1x128xf32, #tpu.memory_space<vmem>>, vector<1x128xf32>
    %add3A_39 = vector.broadcast %get3A_38 : vector<1x128xf32> to vector<2560x128xf32>
    %add3A_40 = arith.addf %dot_general3A_35, %add3A_39 : vector<2560x128xf32>
    %get3A_41 = arith.constant 0 : index
    %get3A_42 = arith.constant 0 : index
    %get3A_43 = vector.load %arg5[%get3A_41, %get3A_42] : memref<2560x1xf32, #tpu.memory_space<vmem>>, vector<2560x1xf32>
    %mul3A_44 = vector.broadcast %get3A_43 : vector<2560x1xf32> to vector<2560x128xf32>
    %mul3A_45 = arith.mulf %add3A_40, %mul3A_44 : vector<2560x128xf32>
    %get3A_46 = arith.constant 0 : index
    %get3A_47 = arith.constant 0 : index
    %get3A_48 = vector.load %arg6[%get3A_46, %get3A_47] : memref<2560x40xf32, #tpu.memory_space<vmem>>, vector<2560x40xf32>
    %get3A_49 = arith.constant 0 : index
    %get3A_50 = arith.constant 0 : index
    %get3A_51 = vector.load %arg7[%get3A_49, %get3A_50] : memref<2560x40xf32, #tpu.memory_space<vmem>>, vector<2560x40xf32>
    %get3A_52 = arith.constant 0 : index
    %get3A_53 = arith.constant 0 : index
    %get3A_54 = arith.constant 0 : index
    %get3A_55 = vector.load %arg8[%get3A_52, %get3A_53, %get3A_54] : memref<3x128x40xf32, #tpu.memory_space<vmem>>, vector<1x128x40xf32>
    %get3A_56 = vector.shape_cast %get3A_55 : vector<1x128x40xf32> to vector<128x40xf32>
    %dot_general3A_57 = arith.constant dense<0.000000e+00> : vector<2560x40xf32>
    %dot_general3A_58 = tpu.matmul %mul3A_45, %get3A_56, %dot_general3A_57 {dimension_numbers = #tpu.dot_dimension_numbers<[1], [0], [0], [1], [0, 0, 1, 1], [], []>, transpose_lhs_hint = false} : vector<2560x128xf32>, vector<128x40xf32>, vector<2560x40xf32> -> vector<2560x40xf32>
    %mul3A_59 = arith.mulf %dot_general3A_58, %get3A_48 : vector<2560x40xf32>
    %get3A_60 = arith.constant 1 : index
    %get3A_61 = arith.constant 0 : index
    %get3A_62 = arith.constant 0 : index
    %get3A_63 = vector.load %arg8[%get3A_60, %get3A_61, %get3A_62] : memref<3x128x40xf32, #tpu.memory_space<vmem>>, vector<1x128x40xf32>
    %get3A_64 = vector.shape_cast %get3A_63 : vector<1x128x40xf32> to vector<128x40xf32>
    %dot_general3A_65 = arith.constant dense<0.000000e+00> : vector<2560x40xf32>
    %dot_general3A_66 = tpu.matmul %mul3A_45, %get3A_64, %dot_general3A_65 {dimension_numbers = #tpu.dot_dimension_numbers<[1], [0], [0], [1], [0, 0, 1, 1], [], []>, transpose_lhs_hint = false} : vector<2560x128xf32>, vector<128x40xf32>, vector<2560x40xf32> -> vector<2560x40xf32>
    %mul3A_67 = arith.mulf %dot_general3A_66, %get3A_48 : vector<2560x40xf32>
    %get3A_68 = arith.constant 2 : index
    %get3A_69 = arith.constant 0 : index
    %get3A_70 = arith.constant 0 : index
    %get3A_71 = vector.load %arg8[%get3A_68, %get3A_69, %get3A_70] : memref<3x128x40xf32, #tpu.memory_space<vmem>>, vector<1x128x40xf32>
    %get3A_72 = vector.shape_cast %get3A_71 : vector<1x128x40xf32> to vector<128x40xf32>
    %dot_general3A_73 = arith.constant dense<0.000000e+00> : vector<2560x40xf32>
    %dot_general3A_74 = tpu.matmul %mul3A_45, %get3A_72, %dot_general3A_73 {dimension_numbers = #tpu.dot_dimension_numbers<[1], [0], [0], [1], [0, 0, 1, 1], [], []>, transpose_lhs_hint = false} : vector<2560x128xf32>, vector<128x40xf32>, vector<2560x40xf32> -> vector<2560x40xf32>
    %mul3A_75 = arith.mulf %dot_general3A_74, %get3A_48 : vector<2560x40xf32>
    %max3A_76 = arith.maximumf %mul3A_59, %mul3A_67 : vector<2560x40xf32>
    %max3A_77 = arith.maximumf %max3A_76, %mul3A_75 : vector<2560x40xf32>
    %sub3A_78 = arith.subf %mul3A_59, %max3A_77 : vector<2560x40xf32>
    %exp3A = math.exp %sub3A_78 : vector<2560x40xf32>
    %sub3A_79 = arith.subf %mul3A_67, %max3A_77 : vector<2560x40xf32>
    %exp3A_80 = math.exp %sub3A_79 : vector<2560x40xf32>
    %sub3A_81 = arith.subf %mul3A_75, %max3A_77 : vector<2560x40xf32>
    %exp3A_82 = math.exp %sub3A_81 : vector<2560x40xf32>
    %add3A_83 = arith.addf %exp3A, %exp3A_80 : vector<2560x40xf32>
    %add3A_84 = arith.addf %add3A_83, %exp3A_82 : vector<2560x40xf32>
    %eq3A = arith.constant 0.000000e+00 : f32
    %eq3A_85 = vector.broadcast %eq3A : f32 to vector<2560x40xf32>
    %eq3A_86 = arith.cmpf oeq, %get3A_51, %eq3A_85 : vector<2560x40xf32>
    %div3A_87 = arith.divf %exp3A, %add3A_84 : vector<2560x40xf32>
    %jit3A = arith.constant 0.000000e+00 : f32
    %broadcast_in_dim3A_88 = vector.broadcast %jit3A : f32 to vector<2560x40xf32>
    %select_n3A = arith.select %eq3A_86, %broadcast_in_dim3A_88, %div3A_87 : vector<2560x40xi1>, vector<2560x40xf32>
    %div3A_89 = arith.divf %exp3A_80, %add3A_84 : vector<2560x40xf32>
    %eq3A_90 = arith.constant 1.000000e+00 : f32
    %eq3A_91 = vector.broadcast %eq3A_90 : f32 to vector<2560x40xf32>
    %eq3A_92 = arith.cmpf oeq, %get3A_51, %eq3A_91 : vector<2560x40xf32>
    %div3A_93 = arith.divf %exp3A_82, %add3A_84 : vector<2560x40xf32>
    %jit3A_94 = arith.constant 0.000000e+00 : f32
    %broadcast_in_dim3A_95 = vector.broadcast %jit3A_94 : f32 to vector<2560x40xf32>
    %select_n3A_96 = arith.select %eq3A_92, %broadcast_in_dim3A_95, %div3A_93 : vector<2560x40xi1>, vector<2560x40xf32>
    %add3A_97 = arith.addf %select_n3A, %div3A_89 : vector<2560x40xf32>
    %add3A_98 = arith.addf %add3A_97, %select_n3A_96 : vector<2560x40xf32>
    %div3A_99 = arith.divf %select_n3A, %add3A_98 : vector<2560x40xf32>
    %get3A_100 = arith.constant 0 : index
    %get3A_101 = arith.constant 0 : index
    %get3A_102 = arith.constant 0 : index
    %get3A_103 = vector.load %arg9[%get3A_100, %get3A_101, %get3A_102] : memref<3x40x128xf32, #tpu.memory_space<vmem>>, vector<1x40x128xf32>
    %get3A_104 = vector.shape_cast %get3A_103 : vector<1x40x128xf32> to vector<40x128xf32>
    %dot_general3A_105 = arith.constant dense<0.000000e+00> : vector<2560x128xf32>
    %dot_general3A_106 = tpu.matmul %div3A_99, %get3A_104, %dot_general3A_105 {dimension_numbers = #tpu.dot_dimension_numbers<[1], [0], [0], [1], [0, 0, 1, 1], [], []>, transpose_lhs_hint = false} : vector<2560x40xf32>, vector<40x128xf32>, vector<2560x128xf32> -> vector<2560x128xf32>
    %div3A_107 = arith.divf %div3A_89, %add3A_98 : vector<2560x40xf32>
    %get3A_108 = arith.constant 1 : index
    %get3A_109 = arith.constant 0 : index
    %get3A_110 = arith.constant 0 : index
    %get3A_111 = vector.load %arg9[%get3A_108, %get3A_109, %get3A_110] : memref<3x40x128xf32, #tpu.memory_space<vmem>>, vector<1x40x128xf32>
    %get3A_112 = vector.shape_cast %get3A_111 : vector<1x40x128xf32> to vector<40x128xf32>
    %dot_general3A_113 = arith.constant dense<0.000000e+00> : vector<2560x128xf32>
    %dot_general3A_114 = tpu.matmul %div3A_107, %get3A_112, %dot_general3A_113 {dimension_numbers = #tpu.dot_dimension_numbers<[1], [0], [0], [1], [0, 0, 1, 1], [], []>, transpose_lhs_hint = false} : vector<2560x40xf32>, vector<40x128xf32>, vector<2560x128xf32> -> vector<2560x128xf32>
    %add3A_115 = arith.addf %dot_general3A_106, %dot_general3A_114 : vector<2560x128xf32>
    %div3A_116 = arith.divf %select_n3A_96, %add3A_98 : vector<2560x40xf32>
    %get3A_117 = arith.constant 2 : index
    %get3A_118 = arith.constant 0 : index
    %get3A_119 = arith.constant 0 : index
    %get3A_120 = vector.load %arg9[%get3A_117, %get3A_118, %get3A_119] : memref<3x40x128xf32, #tpu.memory_space<vmem>>, vector<1x40x128xf32>
    %get3A_121 = vector.shape_cast %get3A_120 : vector<1x40x128xf32> to vector<40x128xf32>
    %dot_general3A_122 = arith.constant dense<0.000000e+00> : vector<2560x128xf32>
    %dot_general3A_123 = tpu.matmul %div3A_116, %get3A_121, %dot_general3A_122 {dimension_numbers = #tpu.dot_dimension_numbers<[1], [0], [0], [1], [0, 0, 1, 1], [], []>, transpose_lhs_hint = false} : vector<2560x40xf32>, vector<40x128xf32>, vector<2560x128xf32> -> vector<2560x128xf32>
    %add3A_124 = arith.addf %add3A_115, %dot_general3A_123 : vector<2560x128xf32>
    %swap3A = arith.constant 0 : index
    %swap3A_125 = arith.constant 0 : index
    %swap3A_126 = vector.load %arg10[%swap3A, %swap3A_125] : memref<2560x128xf32, #tpu.memory_space<vmem>>, vector<2560x128xf32>
    tpu.vector_store %arg10[%swap3A, %swap3A_125], %add3A_124 {strides = array<i32>} : memref<2560x128xf32, #tpu.memory_space<vmem>>, vector<2560x128xf32>,
    return
  }
}

</mosaic_0001>

<sc_bundles>
// kernel: kernel.10.cloned.1.call-start
scs
__scs_entry_jumppad:
0x0: {  	(pc) =	sbr.rel $0x88, $3  }
0x1: {  	(tag) =	ssettag $0x0;
	lr =	simm.s32 $0x1  }
0x2: {  	[smem:$0x3F88] =	sst lr;
	_ =	strace $0xD0000000  }
0x3: {  	_ = 	snop  }
0x4: {  	_ = 	snop  }
0x5: {  	_ = 	snop  }
0x6: {  	_ = 	snop  }
0x7: {  	_ = 	snop  }
__scs_overlays_trampoline_lowered:
0x8: {  	[smem:$0x3F97] =	sst s0  }
0x9: {  	[smem:$0x3F98] =	sst s1  }
0xa: {  	[smem:$0x3F99] =	sst s2  }
0xb: {  	[smem:$0x3F9A] =	sst s3  }
0xc: {  	[smem:$0x3F9B] =	sst s4  }
0xd: {  	[smem:$0x3F9C] =	sst s5  }
0xe: {  	[smem:$0x3F9D] =	sst s6  }
0xf: {  	[smem:$0x3F9E] =	sst s7  }
0x10: {  	[smem:$0x3F9F] =	sst s8  }
0x11: {  	[smem:$0x3FA0] =	sst s9;
	s0 =	simm.s32 @!p0 $0x0  }
0x12: {  	s1 =	sld [smem:$0x3F86];
	s0 =	simm.s32 @p0 $0x1  }
0x13: {  	[smem:$0x3FA1] =	sst s0;
	s0 =	simm.s32 @!p1 $0x0  }
0x14: {  	s2 =	sld [smem:$0x3F85];
	s0 =	simm.s32 @p1 $0x1  }
0x15: {  	[smem:$0x3FA2] =	sst s0;
	s0 =	simm.s32 @!p2 $0x0  }
0x16: {  	s3 =	sld [smem:$0x3FDB];
	s0 =	simm.s32 @p2 $0x1  }
0x17: {  	s4 =	simm.s32 $0x1BF5;
	[smem:$0x3FA4] =	sst s0  }
0x18: {  	s0 =	sld [smem:$0x3F87];
	_ =	swait.ge [sflag:s4], $0x0  }
0x19: {  	s7 =	sld [smem:$0x3F88]  }
0x1a: {  	s8 =	sadd.s32 $0xFFFFE003, lr  }
0x1b: {  	s9 =	sadd.s32 $0xFFFFFEF7, lr;
	s5 =	simm.s32 $0xFFFFFFFF;
	p2 =	slt.u32 s8, $0xFFFFF086  }
0x1c: {  	p1 =	slt.u32 s9, $0xF7A;
	s5 =	simm.s32 @!p2 $0x0  }
0x1d: {  	s5 =	simm.s32 @p1 $0x1;
	p0 =	seq.s32 s7, s2  }
0x1e: {  	s7 =	smul.u32 @!p0 $0xF7A, s2;
	p2 =	seq.s32 @!p0 s5, $0x0  }
0x1f: {  	s9 =	smul.u32 $0xF7A, s1;
	s8 =	simm.s32 @!p0 $0x1BF5;
	p2 =	por !p2, p0  }
0x20: {  	[sflag:s8] =	ssyncset.s32 @!p0 $0xFFFFF086;
	s6 =	sadd.s32 @!p0 s3, s7;
	s7 =	simm.s32 @!p0 $0x108  }
0x21: {  	s3 =	sadd.s32 s3, s9;
	s6 =	sadd.s32 @!p0 $0x88, s6;
	s7 =	simm.s32 @p2 $0x1082  }
0x22: {  	[simem:s7], [sflag:s8] =	dma.local @!p0 [hbm:s6], $0xF7A  }
0x23: {  	s9 =	sor.u32 $0xD0000000, s2;
	s6 =	simm.s32 $0x108;
	_ =	swait.ge @!p0 [sflag:s8], $0x0  }
0x24: {  	s3 =	sadd.s32 $0x88, s3;
	s6 =	simm.s32 @!p1 $0x1082;
	[sflag:s4] =	ssyncset.s32 $0xFFFFF086  }
0x25: {  	[simem:s6], [sflag:s4] =	dma.local [hbm:s3], $0xF7A  }
0x26: {  	[smem:$0x3F88] =	sst s1;
	(tag) =	ssettag s2;
	_ =	strace s9  }
0x27: {  	s1 =	sld [smem:$0x3F98]  }
0x28: {  	s2 =	sld [smem:$0x3F99]  }
0x29: {  	s4 =	sld [smem:$0x3F9B]  }
0x2a: {  	p0 =	seq.s32 s5, $0x0;
	s5 =	sld [smem:$0x3F9C]  }
0x2b: {  	s6 =	sld [smem:$0x3F9D]  }
0x2c: {  	s7 =	sld [smem:$0x3F9E]  }
0x2d: {  	s3 =	simm.s32 $0x108;
	s8 =	sld [smem:$0x3F9F]  }
0x2e: {  	s3 =	simm.s32 @!p0 $0x1082;
	s9 =	sld [smem:$0x3FA0]  }
0x2f: {  	lr =	sadd.s32 s0, s3;
	s0 =	sld [smem:$0x3F97]  }
0x30: {  	s3 =	sld [smem:$0x3F9A]  }
0x31: {  	[smem:$0x3FA3] =	sst s10  }
0x32: {  	s10 =	sld [smem:$0x3FA1];
	_ =	sdelay $0x3  }
0x33: {  	p0 =	seq.s32 s10, $0x1;
	s10 =	sld [smem:$0x3FA3];
	_ =	sdelay $0x3  }
0x34: {  	[smem:$0x3FA3] =	sst s10  }
0x35: {  	s10 =	sld [smem:$0x3FA2];
	_ =	sdelay $0x3  }
0x36: {  	p1 =	seq.s32 s10, $0x1;
	s10 =	sld [smem:$0x3FA3];
	_ =	sdelay $0x3  }
0x37: {  	[smem:$0x3FA3] =	sst s10  }
0x38: {  	s10 =	sld [smem:$0x3FA4]  }
0x39: {  	_ = 	snop;
	(pc) =	sbr.ind lr, $3  }
0x3a: {  	_ = 	snop  }
0x3b: {  	_ = 	snop  }
0x3c: {  	p2 =	seq.s32 s10, $0x1;
	s10 =	sld [smem:$0x3FA3]  }
0x3d: {  	_ =	shalt  }
0x3e: {  	_ =	shalt  }
0x3f: {  	_ =	shalt  }
0x40: {  	_ =	shalt  }
0x41: {  	_ =	shalt  }
0x42: {  	_ =	shalt  }
0x43: {  	_ =	shalt  }
0x44: {  	_ =	shalt  }
0x45: {  	_ =	shalt  }
0x46: {  	_ =	shalt  }
0x47: {  	_ =	shalt  }
0x48: {  	_ =	shalt  }
0x49: {  	_ =	shalt  }
0x4a: {  	_ =	shalt  }
0x4b: {  	_ =	shalt  }
0x4c: {  	_ =	shalt  }
0x4d: {  	_ =	shalt  }
0x4e: {  	_ =	shalt  }
0x4f: {  	_ =	shalt  }
0x50: {  	_ =	shalt  }
0x51: {  	_ =	shalt  }
0x52: {  	_ =	shalt  }
0x53: {  	_ =	shalt  }
0x54: {  	_ =	shalt  }
0x55: {  	_ =	shalt  }
0x56: {  	_ =	shalt  }
0x57: {  	_ =	shalt  }
0x58: {  	_ =	shalt  }
0x59: {  	_ =	shalt  }
0x5a: {  	_ =	shalt  }
0x5b: {  	_ =	shalt  }
0x5c: {  	_ =	shalt  }
0x5d: {  	_ =	shalt  }
0x5e: {  	_ =	shalt  }
0x5f: {  	_ =	shalt  }
0x60: {  	_ =	shalt  }
0x61: {  	_ =	shalt  }
0x62: {  	_ =	shalt  }
0x63: {  	_ =	shalt  }
0x64: {  	_ =	shalt  }
0x65: {  	_ =	shalt  }
0x66: {  	_ =	shalt  }
0x67: {  	_ =	shalt  }
0x68: {  	_ =	shalt  }
0x69: {  	_ =	shalt  }
0x6a: {  	_ =	shalt  }
0x6b: {  	_ =	shalt  }
0x6c: {  	_ =	shalt  }
0x6d: {  	_ =	shalt  }
0x6e: {  	_ =	shalt  }
0x6f: {  	_ =	shalt  }
0x70: {  	_ =	shalt  }
0x71: {  	_ =	shalt  }
0x72: {  	_ =	shalt  }
0x73: {  	_ =	shalt  }
0x74: {  	_ =	shalt  }
0x75: {  	_ =	shalt  }
0x76: {  	_ =	shalt  }
0x77: {  	_ =	shalt  }
0x78: {  	_ =	shalt  }
0x79: {  	_ =	shalt  }
0x7a: {  	_ =	shalt  }
0x7b: {  	_ =	shalt  }
0x7c: {  	_ =	shalt  }
0x7d: {  	_ =	shalt  }
0x7e: {  	_ =	shalt  }
0x7f: {  	_ =	shalt  }
0x80: {  	_ =	shalt  }
0x81: {  	_ =	shalt  }
0x82: {  	_ =	shalt  }
0x83: {  	_ =	shalt  }
0x84: {  	_ =	shalt  }
0x85: {  	_ =	shalt  }
0x86: {  	_ =	shalt  }
0x87: {  	_ =	shalt  }
.Lfunc_end0:
.L_simem_size_0:
called_computation_lowered:
.L_overlay_start_0:
0x88: {  	s2 =	sld [smem:$0x3FD9]  }
0x89: {  	s3 =	sld [smem:$0x3FFE];
	_ =	sdelay $0x1  }
0x8a: {  	s1 =	srdreg.scid  }
0x8b: {  	s0 =	sand.u32 $0x1, s1  }
0x8c: {  	s17 =	sshll.u32 s0, $0xA;
	s2 =	sadd.s32 s3, s2  }
0x8d: {  	s2 =	sadd.s32 s2, s17  }
0x8e: {  	[smem:$0x3FAF] =	sst s2  }
0x8f: {  	_ = 	snop  }
0x90: {  	s2 =	sld [smem:$0x3FD0];
	(tm) =	ssettm $0x1  }
0x91: {  	s18 =	sld [smem:$0x3FFB];
	_ =	sdelay $0x3  }
0x92: {  	_ =	strace s18  }
0x93: {  	s3 =	sld [smem:$0x3FFC];
	_ =	sdelay $0x3  }
0x94: {  	_ =	strace s3  }
0x95: {  	s3 =	sld [smem:$0x3FFD];
	_ =	sdelay $0x3  }
0x96: {  	_ =	strace s3  }
0x97: {  	_ =	strace $0x8FFFFFFF  }
0x98: {  	s19 =	sld [smem:$0x3FDB];
	_ =	sdelay $0x1  }
0x99: {  	s4 =	simm.s32 $_scs_section_size  }
0x9a: {  	s5 =	simm.s32 $_size__tile_overlayer_lowered;
	s6 =	simm.s32 $_tile_overlayer_lowered  }
0x9b: {  	s22 =	simm.s32 $0x1BFF;
	s21 =	sshll.u32 s6, $0x1;
	s3 =	sadd.s32 s4, s19  }
0x9c: {  	s7 =	simm.s32 $0x0;
	s20 =	sshll.u32 s5, $0x1;
	s5 =	sadd.s32 s21, s3  }
0x9d: {  	[timem:s7], [sflag:s22] =	dma.local [hbm:s5], s20  }
0x9e: {  	_ =	swait.ge [sflag:s22], s20  }
0x9f: {  	s4 =	ssub.s32 $0x0, s20;
	[sflag:s22] =	ssyncset.done $0x0  }
0xa0: {  	[sflag:s22] =	ssyncadd.s32 s4;
	_ =	sdelay $0x1  }
0xa1: {  	s23 =	simm.s32 $0x1B8B  }
0xa2: {  	_ =	swait.ge [sflag:s23], $0x1  }
0xa3: {  	[sflag:s23] =	ssyncset.done $0x0  }
0xa4: {  	s25 =	simm.s32 $0x1B8E;
	s24 =	sld [smem:$0x3FFE];
	[sflag:s23] =	ssyncadd.s32 $0xFFFFFFFF  }
0xa5: {  	s26 =	simm.s32 $execute0_lowered;
	[smem:$0x3FD2] =	sst s25  }
0xa6: {  	s5 =	sshll.u32 s26, $0x1;
	_ =	strace $0x80000046;
	[dreg:$0x1] =	wrdreg $0xFFFFFFFF  }
0xa7: {  	s28 =	simm.s32 $_size_execute0_lowered;
	s3 =	sadd.s32 s3, s5;
	[dreg:$0x0] =	wrdreg $0x0  }
0xa8: {  	s5 =	sshll.u32 s28, $0x1;
	[dreg:$0x2] =	wrdreg s3  }
0xa9: {  	[dreg:$0x3] =	wrdreg s5  }
0xaa: {  	[dreg:$0x4] =	wrdreg $0xC0  }
0xab: {  	_ =	task [dreg:s7], $0x5FFFF  }
0xac: {  	[dreg:$0x1] =	wrdreg $0xFFFFFFFF  }
0xad: {  	[dreg:$0x0] =	wrdreg $0x60  }
0xae: {  	[dreg:$0x2] =	wrdreg s24  }
0xaf: {  	[dreg:$0x3] =	wrdreg s2  }
0xb0: {  	[dreg:$0x4] =	wrdreg $0x9  }
0xb1: {  	_ =	task.clear_ibuf [dreg:s7], $0x5FFFF;
	_ =	strace $0x90000046  }
0xb2: {  	s29 =	simm.s32 $0x9;
	_ =	strace $0x80000048  }
0xb3: {  	_ =	swait.ge [sflag:s29], $0x1  }
0xb4: {  	[sflag:s29] =	ssyncadd.s32 $0xFFFFFFFF  }
0xb5: {  	_ =	strace $0x90000048  }
0xb6: {  	_ =	sfence  }
0xb7: {  	s30 =	sld [smem:$0x0];
	_ =	sdelay $0x2  }
0xb8: {  	s31 =	sshll.u32 s1, $0xD;
	s1 =	sshrl.u32 s1, $0x2  }
0xb9: {  	s3 =	sand.u32 $0x4000, s31;
	s1 =	sadd.s32 s1, s30  }
0xba: {  	s0 =	sor.u32 s3, s0;
	s1 =	sshll.u32 s1, $0x11  }
0xbb: {  	s0 =	sor.u32 s1, s0  }
0xbc: {  	s0 =	sadd.s32 $0x8F2B, s0  }
0xbd: {  	[sflag:s0] =	ssyncadd.remote.s32 $0x1  }
0xbe: {  	_ =	sfence.sel $0xFFFF  }
0xbf: {  	[dreg:$0x0] =	wrdreg $0xFFFFFFFF;
	(pc) =	sbr.abs _section_cstart, $3  }
0xc0: {  	[dreg:$0x1] =	wrdreg $0xFFFFFFFF  }
0xc1: {  	_ =	task.clear_ibuf [dreg:s7], $0x2FFFF;
	_ =	strace $0x9FFFFFFF  }
0xc2: {  	(tm) =	ssettm $0x7FFFFFFF  }
0xc3: {  	_ =	shalt  }
tec
execute0_lowered:
.L_overlay_start_1:
0x0: {  	(tag) =	ssettag $0x1  }
0x1: {  	s5 =	rddreg [dreg:$0x0];
	s1 =	srdreg.scid  }
0x2: {  	s0 =	stileid.u32;
	s2 =	rddreg [dreg:$0x1];
	s3 =	simm.s32 $0x0  }
0x3: {  	s12 =	simm.s32 $0x4000;
	s13 =	simm.s32 $0x2;
	s15 =	simm.s32 $0x5  }
0x4: {  	s6 =	sand.u32 $0x1, s1;
	s4 =	sshll.u32 s0, $0x1;
	s1 =	rddreg [dreg:$0x2]  }
0x5: {  	s16 =	simm.s32 $0x0;
	[smem:$0x7FF] =	sst s3;
	s7 =	sor.u32 s6, s4  }
0x6: {  	s9 =	sadd.s32 $0x8E00, s5;
	_ =	strace $0x80000047;
	s11 =	smul.u32 $0x50, s7  }
0x7: {  	s4 =	sadd.s32 $0x3E00, s5;
	s6 =	ssub.s32 $0x2, s6;
	s5 =	sadd.s32 $0x4000, s5  }
0x8: {  	s8 =	sshrl.u32 s6, $0x1;
	s7 =	smul.u32 $0x6400, s7;
	s14 =	sadd.s32 $0x28, s11  }
0x9: {  	s10 =	ssub.s32 s6, s8;
	s6 =	sadd.s32 $0x200, s2;
	s31 =	smul.u32 $0x140, s14  }
0xa: {  	s7 =	sadd.s32 s9, s7;
	v0 =	vmov s11;
	s11 =	simm.s32 $0x3;
	v1 =	vmov s14;
	s14 =	simm.s32 $0x4  }
0xb: {  	v2 =	vimm.f32 $0.0e+00;
	v3 =	vimm.f32 $1.000000000e+00;
	s8 =	sadd.s32 s9, s31;
	s9 =	smax.u32 s10, $0x1;
	s10 =	simm.s32 $0x1  }
.LBB2_1:
0xc: {  	s17 =	simm.s32 $0x4040  }
0xd: {  	[tilespmem:s17+$0xFFFFFFC0] =	vst v2  }
0xe: {  	[tilespmem:s17+$0x30] =	vst v2  }
0xf: {  	[tilespmem:s17+$0x20] =	vst v2  }
0x10: {  	[tilespmem:s17+$0x10] =	vst v2  }
0x11: {  	[tilespmem:s17+$0x0] =	vst v2  }
0x12: {  	[tilespmem:s17+$0xFFFFFFF0] =	vst v2  }
0x13: {  	s18 =	simm.s32 $0x0;
	[tilespmem:s17+$0xFFFFFFE0] =	vst v2  }
.LBB2_2:
0x14: {  	s18 =	sadd.s32 $0x8, s18;
	[tilespmem:s17+$0xFFFFFFD0] =	vst v2;
	s17 =	sadd.s32 $0x80, s17  }
0x15: {  	[tilespmem:s17+$0xFFFFFFC0] =	vst v2;
	p0 =	slt.u32 s18, $0x18F8  }
0x16: {  	[tilespmem:s17+$0x30] =	vst v2  }
.Ltmp0:
0x17: {  	[tilespmem:s17+$0x20] =	vst v2;
	(pc) =	sbr.rel @p0 .LBB2_2-.Ltmp0, $4  }
0x18: {  	[tilespmem:s17+$0x10] =	vst v2  }
0x19: {  	[tilespmem:s17+$0x0] =	vst v2  }
0x1a: {  	[tilespmem:s17+$0xFFFFFFF0] =	vst v2  }
0x1b: {  	[tilespmem:s17+$0xFFFFFFE0] =	vst v2  }
0x1c: {  	[tilespmem:s17+$0xFFFFFFD0] =	vst v2;
	s17 =	simm.s32 $0x0;
	s18 =	simm.s32 $0x0;
	s19 =	simm.s32 $0x0  }
.LBB2_4:
0x1d: {  	p0 =	sne.s32 s19, $0x1F0  }
.Ltmp1:
0x1e: {  	_ = 	snop;
	(pc) =	sbr.rel @p0 .LBB2_4-.Ltmp1, $4  }
0x1f: {  	_ = 	snop  }
0x20: {  	s20 =	sadd.s32 s19, s4  }
0x21: {  	[tilespmem:s18], [sflag:$0x1] =	stream.linear.gather [hbm4b:s20+s17], $0x80, $0x38;
	[tilespmem:$0x1D000] =	vst v63  }
0x22: {  	s19 =	sadd.s32 $0x10, s19;
	s18 =	sadd.s32 $0x100, s18  }
0x23: {  	s17 =	simm.s32 $0x2000  }
0x24: {  	s18 =	simm.s32 $0x10;
	s20 =	sadd.s32 $0x0, s2;
	s19 =	simm.s32 $0x2100  }
.LBB2_6:
0x25: {  	[tilespmem:s17], [sflag:$0x3] =	stream.linear.gather [hbm4b:s20+s3], $0x80, $0x38;
	[tilespmem:$0x1D000] =	vst v63  }
0x26: {  	s20 =	smov.u32 s18;
	s17 =	smov.u32 s19;
	p0 =	sne.s32 s18, $0x1F0  }
.Ltmp2:
0x27: {  	s18 =	sadd.s32 $0x10, s18;
	(pc) =	sbr.rel @p0 .LBB2_6-.Ltmp2, $2  }
0x28: {  	_ =	sdelay $0x2  }
0x29: {  	s19 =	sadd.s32 $0x100, s19;
	s20 =	sadd.s32 s20, s2  }
0x2a: {  	[tilespmem:s17], [sflag:$0x3] =	stream.linear.gather [hbm4b:s20+s3], $0x80, $0x38;
	[tilespmem:$0x1D000] =	vst v63  }
0x2b: {  	s17 =	simm.s32 $0x80  }
0x2c: {  	s18 =	simm.s32 $0x10;
	s20 =	sadd.s32 $0x0, s5;
	s19 =	simm.s32 $0x180  }
.LBB2_8:
0x2d: {  	[tilespmem:s17], [sflag:$0x2] =	stream.linear.gather [hbm4b:s20+s3], $0x80, $0x38;
	[tilespmem:$0x1D000] =	vst v63  }
0x2e: {  	s20 =	smov.u32 s18;
	s17 =	smov.u32 s19;
	p0 =	sne.s32 s18, $0x1F0  }
.Ltmp3:
0x2f: {  	s18 =	sadd.s32 $0x10, s18;
	(pc) =	sbr.rel @p0 .LBB2_8-.Ltmp3, $2  }
0x30: {  	_ =	sdelay $0x2  }
0x31: {  	s19 =	sadd.s32 $0x100, s19;
	s20 =	sadd.s32 s20, s5  }
0x32: {  	[tilespmem:s17], [sflag:$0x2] =	stream.linear.gather [hbm4b:s20+s3], $0x80, $0x38;
	[tilespmem:$0x1D000] =	vst v63  }
0x33: {  	s17 =	simm.s32 $0x0;
	s18 =	simm.s32 $0x2080  }
0x34: {  	s19 =	simm.s32 $0x10;
	s21 =	sadd.s32 $0x0, s6;
	s20 =	simm.s32 $0x2180  }
.LBB2_10:
0x35: {  	[tilespmem:s18], [sflag:$0x4] =	stream.linear.gather [hbm4b:s21+s17], $0x80, $0x38;
	[tilespmem:$0x1D000] =	vst v63  }
0x36: {  	s21 =	smov.u32 s19;
	s18 =	smov.u32 s20;
	p0 =	sne.s32 s19, $0x1F0  }
.Ltmp4:
0x37: {  	s19 =	sadd.s32 $0x10, s19;
	(pc) =	sbr.rel @p0 .LBB2_10-.Ltmp4, $2  }
0x38: {  	_ =	sdelay $0x2  }
0x39: {  	s20 =	sadd.s32 $0x100, s20;
	s21 =	sadd.s32 s21, s6  }
0x3a: {  	[tilespmem:s18], [sflag:$0x4] =	stream.linear.gather [hbm4b:s21+s17], $0x80, $0x38;
	[tilespmem:$0x1D000] =	vst v63  }
.LBB2_12:
0x3b: {  	_ =	swait.ge [sflag:s10], $0x1000  }
0x3c: {  	[sflag:s10] =	ssyncset.done $0x0  }
0x3d: {  	[sflag:s10] =	ssyncadd.s32 $0xFFFFF000  }
0x3e: {  	_ =	swait.ge [sflag:s11], $0x1000  }
0x3f: {  	[sflag:s11] =	ssyncset.done $0x0  }
0x40: {  	s19 =	simm.s32 $0x2040;
	[sflag:s11] =	ssyncadd.s32 $0xFFFFF000  }
0x41: {  	v4 =	vld [tilespmem:s19+$0x30]  }
0x42: {  	v5 =	vld [tilespmem:s19+$0xFFFFFFC0]  }
0x43: {  	s18 =	simm.s32 $0x40;
	v6 =	vld [tilespmem:s19+$0xFFFFFFD0]  }
0x44: {  	v7 =	vld [tilespmem:s18+$0x30]  }
0x45: {  	v9 =	vld [tilespmem:s19+$0xFFFFFFF0]  }
0x46: {  	v8 =	vld [tilespmem:s19+$0xFFFFFFE0]  }
0x47: {  	v10 =	vld [tilespmem:s19+$0x0];
	_ =	sdelay $0x1  }
0x48: {  	v12 =	vld [tilespmem:s18+$0xFFFFFFD0];
	v4 =	vsub.s32 v4, v0;
	v5 =	vsub.s32 v5, v0  }
0x49: {  	v13 =	vld [tilespmem:s18+$0xFFFFFFE0];
	v6 =	vsub.s32 v6, v0;
	v9 =	vsub.s32 v9, v0;
	v11 =	vmul.u32 $0xA00, v4  }
0x4a: {  	v14 =	vmul.u32 $0xA00, v6;
	vm0 =	vlt.u32 v6, $0x28;
	v6 =	vsub.s32 v8, v0;
	v8 =	vld [tilespmem:s18+$0x0]  }
0x4b: {  	v10 =	vsub.s32 v10, v0;
	vm1 =	vlt.u32 v4, $0x28;
	v4 =	vadd.s32 v7, v11;
	v7 =	vld [tilespmem:s18+$0xFFFFFFF0]  }
0x4c: {  	v56 =	vld [tilespmem:s19+$0x10];
	v16 =	vmul.u32 $0xA00, v9;
	vm2 =	vlt.u32 v6, $0x28;
	v6 =	vmul.u32 $0xA00, v6  }
0x4d: {  	v15 =	vld [tilespmem:s19+$0x20];
	v57 =	vmul.u32 $0xA00, v10;
	v12 =	vadd.s32 v12, v14;
	v4 =	vnsel vm1, $0x0, v4  }
0x4e: {  	v60 =	vld [tilespmem:s18+$0xFFFFFFC0];
	vm3 =	vlt.u32 v9, $0x28;
	v6 =	vadd.s32 v13, v6;
	v12 =	vnsel vm0, $0x0, v12  }
0x4f: {  	v58 =	vld [tilespmem:s18+$0x10];
	vm4 =	vlt.u32 v10, $0x28;
	v6 =	vnsel vm2, $0x0, v6;
	v8 =	vadd.s32 v8, v57  }
0x50: {  	v59 =	vld [tilespmem:s18+$0x20];
	vm5 =	vlt.u32 v5, $0x28;
	v8 =	vnsel vm4, $0x0, v8;
	v7 =	vadd.s32 v7, v16  }
0x51: {  	v5 =	vmul.u32 $0xA00, v5;
	v11 =	vsub.s32 v56, v0;
	v7 =	vnsel vm3, $0x0, v7  }
0x52: {  	v15 =	vsub.s32 v15, v0;
	v61 =	vmul.u32 $0xA00, v11;
	[tilespmem:v4+s12+$0x0] =	vst.idx.add.f32.msk vm1, v3  }
0x53: {  	vm6 =	vlt.u32 v15, $0x28;
	v63 =	vadd.s32 v60, v5;
	v4 =	vmul.u32 $0xA00, v15;
	[tilespmem:v12+s12+$0x0] =	vst.idx.add.f32.msk vm0, v3  }
0x54: {  	v62 =	vadd.s32 v58, v61;
	vm1 =	vlt.u32 v11, $0x28;
	vm0 =	vmmov vm5;
	[tilespmem:v6+s12+$0x0] =	vst.idx.add.f32.msk vm2, v3  }
0x55: {  	vm1 =	vmmov vm1;
	vm2 =	vmmov vm6;
	v6 =	vadd.s32 v59, v4;
	[tilespmem:v8+s12+$0x0] =	vst.idx.add.f32.msk vm4, v3  }
0x56: {  	s20 =	simm.s32 $0x2140;
	s19 =	simm.s32 $0x0;
	v4 =	vnsel vm1, $0x0, v62;
	v5 =	vnsel vm2, $0x0, v6;
	v6 =	vnsel vm0, $0x0, v63;
	[tilespmem:v7+s12+$0x0] =	vst.idx.add.f32.msk vm3, v3  }
.LBB2_13:
0x57: {  	v7 =	vld [tilespmem:s20+$0x30];
	s19 =	sadd.s32 $0x8, s19  }
0x58: {  	v8 =	vld [tilespmem:s20+$0xFFFFFFC0];
	p0 =	slt.u32 s19, $0xF8  }
0x59: {  	s18 =	sadd.s32 $0x100, s18;
	v9 =	vld [tilespmem:s20+$0xFFFFFFD0]  }
0x5a: {  	v10 =	vld [tilespmem:s18+$0x30]  }
0x5b: {  	v11 =	vld [tilespmem:s20+$0xFFFFFFE0]  }
0x5c: {  	v12 =	vld [tilespmem:s20+$0xFFFFFFF0];
	v7 =	vsub.s32 v7, v0  }
0x5d: {  	v8 =	vsub.s32 v8, v0;
	v13 =	vld [tilespmem:s20+$0x0];
	v14 =	vmul.u32 $0xA00, v7  }
0x5e: {  	vm3 =	vlt.u32 v8, $0x28;
	v8 =	vmul.u32 $0xA00, v8;
	v9 =	vsub.s32 v9, v0;
	v15 =	vld [tilespmem:s20+$0x10]  }
0x5f: {  	vm8 =	vlt.u32 v7, $0x28;
	v16 =	vmul.u32 $0xA00, v9;
	v17 =	vld [tilespmem:s20+$0x20];
	v7 =	vadd.s32 v10, v14  }
0x60: {  	vm4 =	vlt.u32 v9, $0x28;
	v10 =	vld [tilespmem:s18+$0xFFFFFFD0];
	v9 =	vsub.s32 v11, v0;
	v7 =	vnsel vm8, $0x0, v7  }
0x61: {  	v11 =	vld [tilespmem:s18+$0xFFFFFFE0];
	vm5 =	vlt.u32 v9, $0x28;
	v9 =	vmul.u32 $0xA00, v9;
	v12 =	vsub.s32 v12, v0  }
0x62: {  	v14 =	vld [tilespmem:s18+$0xFFFFFFF0];
	vm6 =	vlt.u32 v12, $0x28;
	v12 =	vmul.u32 $0xA00, v12;
	v13 =	vsub.s32 v13, v0  }
0x63: {  	v18 =	vld [tilespmem:s18+$0x0];
	vm7 =	vlt.u32 v13, $0x28;
	v13 =	vmul.u32 $0xA00, v13;
	v15 =	vsub.s32 v15, v0  }
0x64: {  	v19 =	vld [tilespmem:s18+$0x10];
	vm9 =	vlt.u32 v15, $0x28;
	v15 =	vmul.u32 $0xA00, v15;
	v17 =	vsub.s32 v17, v0  }
0x65: {  	v10 =	vadd.s32 v10, v16;
	vm10 =	vlt.u32 v17, $0x28;
	v16 =	vmul.u32 $0xA00, v17;
	[tilespmem:v7+s12+$0x0] =	vst.idx.add.f32.msk vm8, v3  }
0x66: {  	v7 =	vnsel vm4, $0x0, v10;
	v9 =	vadd.s32 v11, v9;
	v10 =	vld [tilespmem:s18+$0x20]  }
0x67: {  	v11 =	vld [tilespmem:s18+$0xFFFFFFC0];
	v9 =	vnsel vm5, $0x0, v9;
	v12 =	vadd.s32 v14, v12  }
0x68: {  	v12 =	vnsel vm6, $0x0, v12;
	v13 =	vadd.s32 v18, v13;
	[tilespmem:v6+s12+$0x0] =	vst.idx.add.f32.msk vm0, v3;
	vm0 =	vmmov vm3  }
0x69: {  	v13 =	vnsel vm7, $0x0, v13;
	v6 =	vadd.s32 v19, v15;
	[tilespmem:v4+s12+$0x0] =	vst.idx.add.f32.msk vm1, v3;
	vm1 =	vmmov vm9  }
.Ltmp5:
0x6a: {  	v4 =	vnsel vm1, $0x0, v6;
	[tilespmem:v5+s12+$0x0] =	vst.idx.add.f32.msk vm2, v3;
	vm2 =	vmmov vm10;
	(pc) =	sbr.rel @p0 .LBB2_13-.Ltmp5, $4  }
0x6b: {  	[tilespmem:v7+s12+$0x0] =	vst.idx.add.f32.msk vm4, v3;
	v5 =	vadd.s32 v10, v16  }
0x6c: {  	v6 =	vadd.s32 v11, v8;
	[tilespmem:v9+s12+$0x0] =	vst.idx.add.f32.msk vm5, v3;
	v5 =	vnsel vm2, $0x0, v5  }
0x6d: {  	v6 =	vnsel vm0, $0x0, v6;
	[tilespmem:v12+s12+$0x0] =	vst.idx.add.f32.msk vm6, v3  }
0x6e: {  	s20 =	sadd.s32 $0x100, s20;
	[tilespmem:v13+s12+$0x0] =	vst.idx.add.f32.msk vm7, v3  }
0x6f: {  	_ =	sdelay $0x1  }
0x70: {  	p0 =	seq.s32 s17, $0x13  }
.Ltmp6:
0x71: {  	_ = 	snop;
	(pc) =	sbr.rel @p0 .LBB2_20-.Ltmp6, $4  }
0x72: {  	_ = 	snop  }
0x73: {  	[tilespmem:v6+s12+$0x0] =	vst.idx.add.f32.msk vm0, v3  }
0x74: {  	[tilespmem:v4+s12+$0x0] =	vst.idx.add.f32.msk vm1, v3  }
0x75: {  	[tilespmem:v5+s12+$0x0] =	vst.idx.add.f32.msk vm2, v3;
	s18 =	sshll.u32 s17, $0xA  }
0x76: {  	s19 =	sadd.s32 $0x400, s18  }
0x77: {  	s21 =	simm.s32 $0x0;
	s20 =	sadd.s32 s4, s19  }
0x78: {  	s22 =	simm.s32 $0x10;
	s23 =	simm.s32 $0x100;
	s24 =	sadd.s32 $0x0, s20  }
.LBB2_16:
0x79: {  	[tilespmem:s21], [sflag:$0x1] =	stream.linear.gather [hbm4b:s24+s3], $0x80, $0x38;
	[tilespmem:$0x1D000] =	vst v63  }
0x7a: {  	s24 =	smov.u32 s22;
	s21 =	smov.u32 s23;
	p1 =	sne.s32 s22, $0x1F0  }
.Ltmp7:
0x7b: {  	s22 =	sadd.s32 $0x10, s22;
	(pc) =	sbr.rel @p1 .LBB2_16-.Ltmp7, $2  }
0x7c: {  	_ =	sdelay $0x2  }
0x7d: {  	s23 =	sadd.s32 $0x100, s23;
	s24 =	sadd.s32 s24, s20  }
0x7e: {  	[tilespmem:s21], [sflag:$0x1] =	stream.linear.gather [hbm4b:s24+s3], $0x80, $0x38;
	[tilespmem:$0x1D000] =	vst v63  }
0x7f: {  	s19 =	sadd.s32 s2, s19;
	s20 =	simm.s32 $0x2000  }
0x80: {  	s21 =	simm.s32 $0x10;
	s22 =	simm.s32 $0x2100;
	s23 =	sadd.s32 $0x0, s19  }
.LBB2_18:
0x81: {  	[tilespmem:s20], [sflag:$0x3] =	stream.linear.gather [hbm4b:s23+s3], $0x80, $0x38;
	[tilespmem:$0x1D000] =	vst v63  }
0x82: {  	s23 =	smov.u32 s21;
	s20 =	smov.u32 s22;
	p1 =	sne.s32 s21, $0x1F0  }
.Ltmp8:
0x83: {  	s21 =	sadd.s32 $0x10, s21;
	(pc) =	sbr.rel @p1 .LBB2_18-.Ltmp8, $2  }
0x84: {  	_ =	sdelay $0x2  }
0x85: {  	s22 =	sadd.s32 $0x100, s22;
	s23 =	sadd.s32 s23, s19  }
0x86: {  	[tilespmem:s20], [sflag:$0x3] =	stream.linear.gather [hbm4b:s23+s3], $0x80, $0x38;
	[tilespmem:$0x1D000] =	vst v63  }
.LBB2_20:
0x87: {  	_ =	swait.ge [sflag:s13], $0x1000  }
0x88: {  	[sflag:s13] =	ssyncset.done $0x0  }
0x89: {  	[sflag:s13] =	ssyncadd.s32 $0xFFFFF000  }
0x8a: {  	_ =	swait.ge [sflag:s14], $0x1000  }
0x8b: {  	[sflag:s14] =	ssyncset.done $0x0  }
0x8c: {  	s20 =	simm.s32 $0x20F0;
	[sflag:s14] =	ssyncadd.s32 $0xFFFFF000  }
0x8d: {  	v4 =	vld [tilespmem:s20+$0x0]  }
0x8e: {  	v5 =	vld [tilespmem:s20+$0xFFFFFF90]  }
0x8f: {  	s19 =	simm.s32 $0xF0;
	v6 =	vld [tilespmem:s20+$0xFFFFFFA0]  }
0x90: {  	v7 =	vld [tilespmem:s19+$0x0]  }
0x91: {  	v9 =	vld [tilespmem:s20+$0xFFFFFFC0]  }
0x92: {  	v8 =	vld [tilespmem:s20+$0xFFFFFFB0]  }
0x93: {  	v10 =	vld [tilespmem:s20+$0xFFFFFFD0];
	_ =	sdelay $0x1  }
0x94: {  	v12 =	vld [tilespmem:s19+$0xFFFFFFA0];
	v4 =	vsub.s32 v4, v0;
	v5 =	vsub.s32 v5, v0  }
0x95: {  	v13 =	vld [tilespmem:s19+$0xFFFFFFB0];
	v6 =	vsub.s32 v6, v0;
	v9 =	vsub.s32 v9, v0;
	v11 =	vmul.u32 $0xA00, v4  }
0x96: {  	v14 =	vmul.u32 $0xA00, v6;
	vm0 =	vlt.u32 v6, $0x28;
	v6 =	vsub.s32 v8, v0;
	v8 =	vld [tilespmem:s19+$0xFFFFFFD0]  }
0x97: {  	v10 =	vsub.s32 v10, v0;
	vm1 =	vlt.u32 v4, $0x28;
	v4 =	vadd.s32 v7, v11;
	v7 =	vld [tilespmem:s19+$0xFFFFFFC0]  }
0x98: {  	v56 =	vld [tilespmem:s20+$0xFFFFFFE0];
	v16 =	vmul.u32 $0xA00, v9;
	vm2 =	vlt.u32 v6, $0x28;
	v6 =	vmul.u32 $0xA00, v6  }
0x99: {  	v15 =	vld [tilespmem:s20+$0xFFFFFFF0];
	v57 =	vmul.u32 $0xA00, v10;
	v12 =	vadd.s32 v12, v14;
	v4 =	vnsel vm1, $0x0, v4  }
0x9a: {  	v60 =	vld [tilespmem:s19+$0xFFFFFF90];
	vm3 =	vlt.u32 v9, $0x28;
	v6 =	vadd.s32 v13, v6;
	v12 =	vnsel vm0, $0x0, v12  }
0x9b: {  	v58 =	vld [tilespmem:s19+$0xFFFFFFE0];
	vm4 =	vlt.u32 v10, $0x28;
	v6 =	vnsel vm2, $0x0, v6;
	v8 =	vadd.s32 v8, v57  }
0x9c: {  	v59 =	vld [tilespmem:s19+$0xFFFFFFF0];
	vm5 =	vlt.u32 v5, $0x28;
	v8 =	vnsel vm4, $0x0, v8;
	v7 =	vadd.s32 v7, v16  }
0x9d: {  	v5 =	vmul.u32 $0xA00, v5;
	v11 =	vsub.s32 v56, v0;
	v7 =	vnsel vm3, $0x0, v7  }
0x9e: {  	v15 =	vsub.s32 v15, v0;
	v61 =	vmul.u32 $0xA00, v11;
	[tilespmem:v4+s12+$0x0] =	vst.idx.add.f32.msk vm1, v3  }
0x9f: {  	vm6 =	vlt.u32 v15, $0x28;
	v63 =	vadd.s32 v60, v5;
	v4 =	vmul.u32 $0xA00, v15;
	[tilespmem:v12+s12+$0x0] =	vst.idx.add.f32.msk vm0, v3  }
0xa0: {  	v62 =	vadd.s32 v58, v61;
	vm1 =	vlt.u32 v11, $0x28;
	vm0 =	vmmov vm5;
	[tilespmem:v6+s12+$0x0] =	vst.idx.add.f32.msk vm2, v3  }
0xa1: {  	vm1 =	vmmov vm1;
	vm2 =	vmmov vm6;
	v6 =	vadd.s32 v59, v4;
	[tilespmem:v8+s12+$0x0] =	vst.idx.add.f32.msk vm4, v3  }
0xa2: {  	s21 =	simm.s32 $0x21F0;
	s20 =	simm.s32 $0x0;
	v4 =	vnsel vm1, $0x0, v62;
	v5 =	vnsel vm2, $0x0, v6;
	v6 =	vnsel vm0, $0x0, v63;
	[tilespmem:v7+s12+$0x0] =	vst.idx.add.f32.msk vm3, v3  }
.LBB2_21:
0xa3: {  	v7 =	vld [tilespmem:s21+$0x0];
	s20 =	sadd.s32 $0x8, s20  }
0xa4: {  	v8 =	vld [tilespmem:s21+$0xFFFFFF90];
	p1 =	slt.u32 s20, $0xF8  }
0xa5: {  	s19 =	sadd.s32 $0x100, s19;
	v9 =	vld [tilespmem:s21+$0xFFFFFFA0]  }
0xa6: {  	v10 =	vld [tilespmem:s19+$0x0]  }
0xa7: {  	v11 =	vld [tilespmem:s21+$0xFFFFFFB0]  }
0xa8: {  	v12 =	vld [tilespmem:s21+$0xFFFFFFC0];
	v7 =	vsub.s32 v7, v0  }
0xa9: {  	v8 =	vsub.s32 v8, v0;
	v13 =	vld [tilespmem:s21+$0xFFFFFFD0];
	v14 =	vmul.u32 $0xA00, v7  }
0xaa: {  	vm3 =	vlt.u32 v8, $0x28;
	v8 =	vmul.u32 $0xA00, v8;
	v9 =	vsub.s32 v9, v0;
	v15 =	vld [tilespmem:s21+$0xFFFFFFE0]  }
0xab: {  	vm8 =	vlt.u32 v7, $0x28;
	v16 =	vmul.u32 $0xA00, v9;
	v17 =	vld [tilespmem:s21+$0xFFFFFFF0];
	v7 =	vadd.s32 v10, v14  }
0xac: {  	vm4 =	vlt.u32 v9, $0x28;
	v10 =	vld [tilespmem:s19+$0xFFFFFFA0];
	v9 =	vsub.s32 v11, v0;
	v7 =	vnsel vm8, $0x0, v7  }
0xad: {  	v11 =	vld [tilespmem:s19+$0xFFFFFFB0];
	vm5 =	vlt.u32 v9, $0x28;
	v9 =	vmul.u32 $0xA00, v9;
	v12 =	vsub.s32 v12, v0  }
0xae: {  	v14 =	vld [tilespmem:s19+$0xFFFFFFC0];
	vm6 =	vlt.u32 v12, $0x28;
	v12 =	vmul.u32 $0xA00, v12;
	v13 =	vsub.s32 v13, v0  }
0xaf: {  	v18 =	vld [tilespmem:s19+$0xFFFFFFD0];
	vm7 =	vlt.u32 v13, $0x28;
	v13 =	vmul.u32 $0xA00, v13;
	v15 =	vsub.s32 v15, v0  }
0xb0: {  	v19 =	vld [tilespmem:s19+$0xFFFFFFE0];
	vm9 =	vlt.u32 v15, $0x28;
	v15 =	vmul.u32 $0xA00, v15;
	v17 =	vsub.s32 v17, v0  }
0xb1: {  	v10 =	vadd.s32 v10, v16;
	vm10 =	vlt.u32 v17, $0x28;
	v16 =	vmul.u32 $0xA00, v17;
	[tilespmem:v7+s12+$0x0] =	vst.idx.add.f32.msk vm8, v3  }
0xb2: {  	v7 =	vnsel vm4, $0x0, v10;
	v9 =	vadd.s32 v11, v9;
	v10 =	vld [tilespmem:s19+$0xFFFFFFF0]  }
0xb3: {  	v11 =	vld [tilespmem:s19+$0xFFFFFF90];
	v9 =	vnsel vm5, $0x0, v9;
	v12 =	vadd.s32 v14, v12  }
0xb4: {  	v12 =	vnsel vm6, $0x0, v12;
	v13 =	vadd.s32 v18, v13;
	[tilespmem:v6+s12+$0x0] =	vst.idx.add.f32.msk vm0, v3;
	vm0 =	vmmov vm3  }
0xb5: {  	v13 =	vnsel vm7, $0x0, v13;
	v6 =	vadd.s32 v19, v15;
	[tilespmem:v4+s12+$0x0] =	vst.idx.add.f32.msk vm1, v3;
	vm1 =	vmmov vm9  }
.Ltmp9:
0xb6: {  	v4 =	vnsel vm1, $0x0, v6;
	[tilespmem:v5+s12+$0x0] =	vst.idx.add.f32.msk vm2, v3;
	vm2 =	vmmov vm10;
	(pc) =	sbr.rel @p1 .LBB2_21-.Ltmp9, $4  }
0xb7: {  	[tilespmem:v7+s12+$0x0] =	vst.idx.add.f32.msk vm4, v3;
	v5 =	vadd.s32 v10, v16  }
0xb8: {  	v6 =	vadd.s32 v11, v8;
	[tilespmem:v9+s12+$0x0] =	vst.idx.add.f32.msk vm5, v3;
	v5 =	vnsel vm2, $0x0, v5  }
0xb9: {  	v6 =	vnsel vm0, $0x0, v6;
	[tilespmem:v12+s12+$0x0] =	vst.idx.add.f32.msk vm6, v3  }
0xba: {  	s21 =	sadd.s32 $0x100, s21;
	[tilespmem:v13+s12+$0x0] =	vst.idx.add.f32.msk vm7, v3  }
0xbb: {  	_ =	sdelay $0x2  }
.Ltmp10:
0xbc: {  	_ = 	snop;
	(pc) =	sbr.rel @p0 .LBB2_28-.Ltmp10, $4  }
0xbd: {  	_ = 	snop  }
0xbe: {  	[tilespmem:v6+s12+$0x0] =	vst.idx.add.f32.msk vm0, v3  }
0xbf: {  	[tilespmem:v4+s12+$0x0] =	vst.idx.add.f32.msk vm1, v3  }
0xc0: {  	[tilespmem:v5+s12+$0x0] =	vst.idx.add.f32.msk vm2, v3  }
0xc1: {  	s18 =	sadd.s32 $0x600, s18  }
0xc2: {  	s20 =	simm.s32 $0x80;
	s19 =	sadd.s32 s4, s18  }
0xc3: {  	s21 =	simm.s32 $0x10;
	s22 =	simm.s32 $0x180;
	s23 =	sadd.s32 $0x0, s19  }
.LBB2_24:
0xc4: {  	[tilespmem:s20], [sflag:$0x2] =	stream.linear.gather [hbm4b:s23+s3], $0x80, $0x38;
	[tilespmem:$0x1D000] =	vst v63  }
0xc5: {  	s23 =	smov.u32 s21;
	s20 =	smov.u32 s22;
	p0 =	sne.s32 s21, $0x1F0  }
.Ltmp11:
0xc6: {  	s21 =	sadd.s32 $0x10, s21;
	(pc) =	sbr.rel @p0 .LBB2_24-.Ltmp11, $2  }
0xc7: {  	_ =	sdelay $0x2  }
0xc8: {  	s22 =	sadd.s32 $0x100, s22;
	s23 =	sadd.s32 s23, s19  }
0xc9: {  	[tilespmem:s20], [sflag:$0x2] =	stream.linear.gather [hbm4b:s23+s3], $0x80, $0x38;
	[tilespmem:$0x1D000] =	vst v63  }
0xca: {  	s18 =	sadd.s32 s2, s18;
	s19 =	simm.s32 $0x2080  }
0xcb: {  	s20 =	simm.s32 $0x10;
	s21 =	simm.s32 $0x2180;
	s22 =	sadd.s32 $0x0, s18  }
.LBB2_26:
0xcc: {  	[tilespmem:s19], [sflag:$0x4] =	stream.linear.gather [hbm4b:s22+s3], $0x80, $0x38;
	[tilespmem:$0x1D000] =	vst v63  }
0xcd: {  	s22 =	smov.u32 s20;
	s19 =	smov.u32 s21;
	p0 =	sne.s32 s20, $0x1F0  }
.Ltmp12:
0xce: {  	s20 =	sadd.s32 $0x10, s20;
	(pc) =	sbr.rel @p0 .LBB2_26-.Ltmp12, $2  }
0xcf: {  	_ =	sdelay $0x2  }
0xd0: {  	s21 =	sadd.s32 $0x100, s21;
	s22 =	sadd.s32 s22, s18  }
.Ltmp13:
0xd1: {  	(pc) =	sbr.rel .LBB2_12-.Ltmp13, $3  }
0xd2: {  	_ =	sdelay $0x1  }
0xd3: {  	[tilespmem:s19], [sflag:$0x4] =	stream.linear.gather [hbm4b:s22+s3], $0x80, $0x38;
	[tilespmem:$0x1D000] =	vst v63  }
0xd4: {  	s17 =	sadd.s32 $0x1, s17  }
.LBB2_28:
0xd5: {  	[hbm4b:s7+s3] =	stream.linear.scatter [tilespmem:s12], [sflag:$0x5], $0x19000, $0x38;
	[tilespmem:$0x1D000] =	vst v63  }
0xd6: {  	_ =	swait.ge [sflag:s15], $0x19000  }
0xd7: {  	[sflag:s15] =	ssyncset.done $0x0  }
0xd8: {  	s17 =	simm.s32 $0x4040;
	[sflag:s15] =	ssyncadd.s32 $0xFFFE7000  }
0xd9: {  	[tilespmem:s17+$0xFFFFFFC0] =	vst v2  }
0xda: {  	[tilespmem:s17+$0x30] =	vst v2  }
0xdb: {  	[tilespmem:s17+$0x20] =	vst v2  }
0xdc: {  	[tilespmem:s17+$0x10] =	vst v2  }
0xdd: {  	[tilespmem:s17+$0x0] =	vst v2  }
0xde: {  	[tilespmem:s17+$0xFFFFFFF0] =	vst v2  }
0xdf: {  	s18 =	simm.s32 $0x0;
	[tilespmem:s17+$0xFFFFFFE0] =	vst v2  }
.LBB2_29:
0xe0: {  	s18 =	sadd.s32 $0x8, s18;
	[tilespmem:s17+$0xFFFFFFD0] =	vst v2;
	s17 =	sadd.s32 $0x80, s17  }
0xe1: {  	[tilespmem:s17+$0xFFFFFFC0] =	vst v2;
	p0 =	slt.u32 s18, $0x18F8  }
0xe2: {  	[tilespmem:s17+$0x30] =	vst v2  }
.Ltmp14:
0xe3: {  	[tilespmem:s17+$0x20] =	vst v2;
	(pc) =	sbr.rel @p0 .LBB2_29-.Ltmp14, $4  }
0xe4: {  	[tilespmem:s17+$0x10] =	vst v2  }
0xe5: {  	[tilespmem:s17+$0x0] =	vst v2  }
0xe6: {  	[tilespmem:s17+$0xFFFFFFF0] =	vst v2  }
0xe7: {  	[tilespmem:s17+$0xFFFFFFE0] =	vst v2  }
0xe8: {  	[tilespmem:s17+$0xFFFFFFD0] =	vst v2;
	s17 =	simm.s32 $0x0;
	s18 =	simm.s32 $0x0;
	s19 =	simm.s32 $0x0  }
.LBB2_31:
0xe9: {  	p0 =	sne.s32 s19, $0x1F0  }
.Ltmp15:
0xea: {  	_ = 	snop;
	(pc) =	sbr.rel @p0 .LBB2_31-.Ltmp15, $4  }
0xeb: {  	_ = 	snop  }
0xec: {  	s20 =	sadd.s32 s19, s4  }
0xed: {  	[tilespmem:s18], [sflag:$0x1] =	stream.linear.gather [hbm4b:s20+s17], $0x80, $0x38;
	[tilespmem:$0x1D000] =	vst v63  }
0xee: {  	s19 =	sadd.s32 $0x10, s19;
	s18 =	sadd.s32 $0x100, s18  }
0xef: {  	s19 =	simm.s32 $0x2000  }
.LBB2_33:
0xf0: {  	p0 =	sne.s32 s17, $0x1F0  }
.Ltmp16:
0xf1: {  	_ = 	snop;
	(pc) =	sbr.rel @p0 .LBB2_33-.Ltmp16, $4  }
0xf2: {  	_ = 	snop  }
0xf3: {  	s20 =	sadd.s32 s17, s2;
	s18 =	simm.s32 $0x0  }
0xf4: {  	[tilespmem:s19], [sflag:$0x3] =	stream.linear.gather [hbm4b:s20+s18], $0x80, $0x38;
	[tilespmem:$0x1D000] =	vst v63  }
0xf5: {  	s17 =	sadd.s32 $0x10, s17;
	s19 =	sadd.s32 $0x100, s19  }
0xf6: {  	s17 =	simm.s32 $0x80;
	s19 =	simm.s32 $0x0  }
.LBB2_35:
0xf7: {  	p0 =	sne.s32 s19, $0x1F0  }
.Ltmp17:
0xf8: {  	_ = 	snop;
	(pc) =	sbr.rel @p0 .LBB2_35-.Ltmp17, $4  }
0xf9: {  	_ = 	snop  }
0xfa: {  	s20 =	sadd.s32 s19, s5  }
0xfb: {  	[tilespmem:s17], [sflag:$0x2] =	stream.linear.gather [hbm4b:s20+s18], $0x80, $0x38;
	[tilespmem:$0x1D000] =	vst v63  }
0xfc: {  	s19 =	sadd.s32 $0x10, s19;
	s17 =	sadd.s32 $0x100, s17  }
0xfd: {  	s18 =	simm.s32 $0x2080;
	s19 =	sadd.s32 $0x0, s6;
	s17 =	simm.s32 $0x0  }
0xfe: {  	[tilespmem:s18], [sflag:$0x4] =	stream.linear.gather [hbm4b:s19+s17], $0x80, $0x38;
	[tilespmem:$0x1D000] =	vst v63  }
0xff: {  	s19 =	simm.s32 $0x10  }
.LBB2_37:
0x100: {  	p0 =	sne.s32 s19, $0x1F0  }
.Ltmp18:
0x101: {  	_ = 	snop;
	(pc) =	sbr.rel @p0 .LBB2_37-.Ltmp18, $4  }
0x102: {  	_ = 	snop  }
0x103: {  	s20 =	sadd.s32 s19, s6;
	s18 =	sadd.s32 $0x100, s18  }
0x104: {  	s19 =	sadd.s32 $0x10, s19  }
0x105: {  	[tilespmem:s18], [sflag:$0x4] =	stream.linear.gather [hbm4b:s20+s17], $0x80, $0x38;
	[tilespmem:$0x1D000] =	vst v63  }
.Ltmp19:
0x106: {  	_ = 	snop;
	(pc) =	sbr.rel .LBB2_38-.Ltmp19, $1  }
0x107: {  	_ =	sdelay $0x3  }
.LBB2_49:
0x108: {  	s18 =	sadd.s32 $0x600, s18  }
0x109: {  	s20 =	simm.s32 $0x80;
	s19 =	sadd.s32 s4, s18  }
0x10a: {  	s21 =	simm.s32 $0x10;
	s22 =	simm.s32 $0x180;
	s23 =	sadd.s32 $0x0, s19  }
.LBB2_50:
0x10b: {  	[tilespmem:s20], [sflag:$0x2] =	stream.linear.gather [hbm4b:s23+s3], $0x80, $0x38;
	[tilespmem:$0x1D000] =	vst v63  }
0x10c: {  	s23 =	smov.u32 s21;
	s20 =	smov.u32 s22;
	p0 =	sne.s32 s21, $0x1F0  }
.Ltmp20:
0x10d: {  	s21 =	sadd.s32 $0x10, s21;
	(pc) =	sbr.rel @p0 .LBB2_50-.Ltmp20, $2  }
0x10e: {  	_ =	sdelay $0x2  }
0x10f: {  	s22 =	sadd.s32 $0x100, s22;
	s23 =	sadd.s32 s23, s19  }
0x110: {  	[tilespmem:s20], [sflag:$0x2] =	stream.linear.gather [hbm4b:s23+s3], $0x80, $0x38;
	[tilespmem:$0x1D000] =	vst v63  }
0x111: {  	s18 =	sadd.s32 s2, s18;
	s19 =	simm.s32 $0x2080  }
0x112: {  	s20 =	simm.s32 $0x10;
	s21 =	simm.s32 $0x2180;
	s22 =	sadd.s32 $0x0, s18  }
.LBB2_52:
0x113: {  	[tilespmem:s19], [sflag:$0x4] =	stream.linear.gather [hbm4b:s22+s3], $0x80, $0x38;
	[tilespmem:$0x1D000] =	vst v63  }
0x114: {  	s22 =	smov.u32 s20;
	s19 =	smov.u32 s21;
	p0 =	sne.s32 s20, $0x1F0  }
.Ltmp21:
0x115: {  	s20 =	sadd.s32 $0x10, s20;
	(pc) =	sbr.rel @p0 .LBB2_52-.Ltmp21, $2  }
0x116: {  	_ =	sdelay $0x2  }
0x117: {  	s21 =	sadd.s32 $0x100, s21;
	s22 =	sadd.s32 s22, s18  }
0x118: {  	[tilespmem:s19], [sflag:$0x4] =	stream.linear.gather [hbm4b:s22+s3], $0x80, $0x38;
	[tilespmem:$0x1D000] =	vst v63  }
0x119: {  	s17 =	sadd.s32 $0x1, s17  }
.LBB2_38:
0x11a: {  	_ =	swait.ge [sflag:s10], $0x1000  }
0x11b: {  	[sflag:s10] =	ssyncset.done $0x0  }
0x11c: {  	[sflag:s10] =	ssyncadd.s32 $0xFFFFF000  }
0x11d: {  	_ =	swait.ge [sflag:s11], $0x1000  }
0x11e: {  	[sflag:s11] =	ssyncset.done $0x0  }
0x11f: {  	s19 =	simm.s32 $0x2040;
	[sflag:s11] =	ssyncadd.s32 $0xFFFFF000  }
0x120: {  	v4 =	vld [tilespmem:s19+$0x30]  }
0x121: {  	v5 =	vld [tilespmem:s19+$0xFFFFFFC0]  }
0x122: {  	s18 =	simm.s32 $0x40;
	v6 =	vld [tilespmem:s19+$0xFFFFFFD0]  }
0x123: {  	v7 =	vld [tilespmem:s18+$0x30]  }
0x124: {  	v9 =	vld [tilespmem:s19+$0xFFFFFFF0]  }
0x125: {  	v8 =	vld [tilespmem:s19+$0xFFFFFFE0]  }
0x126: {  	v10 =	vld [tilespmem:s19+$0x0];
	_ =	sdelay $0x1  }
0x127: {  	v12 =	vld [tilespmem:s18+$0xFFFFFFD0];
	v4 =	vsub.s32 v4, v1;
	v5 =	vsub.s32 v5, v1  }
0x128: {  	v13 =	vld [tilespmem:s18+$0xFFFFFFE0];
	v6 =	vsub.s32 v6, v1;
	v9 =	vsub.s32 v9, v1;
	v11 =	vmul.u32 $0xA00, v4  }
0x129: {  	v14 =	vmul.u32 $0xA00, v6;
	vm0 =	vlt.u32 v6, $0x28;
	v6 =	vsub.s32 v8, v1;
	v8 =	vld [tilespmem:s18+$0x0]  }
0x12a: {  	v10 =	vsub.s32 v10, v1;
	vm1 =	vlt.u32 v4, $0x28;
	v4 =	vadd.s32 v7, v11;
	v7 =	vld [tilespmem:s18+$0xFFFFFFF0]  }
0x12b: {  	v56 =	vld [tilespmem:s19+$0x10];
	v16 =	vmul.u32 $0xA00, v9;
	vm2 =	vlt.u32 v6, $0x28;
	v6 =	vmul.u32 $0xA00, v6  }
0x12c: {  	v15 =	vld [tilespmem:s19+$0x20];
	v57 =	vmul.u32 $0xA00, v10;
	v12 =	vadd.s32 v12, v14;
	v4 =	vnsel vm1, $0x0, v4  }
0x12d: {  	v60 =	vld [tilespmem:s18+$0xFFFFFFC0];
	vm3 =	vlt.u32 v9, $0x28;
	v6 =	vadd.s32 v13, v6;
	v12 =	vnsel vm0, $0x0, v12  }
0x12e: {  	v58 =	vld [tilespmem:s18+$0x10];
	vm4 =	vlt.u32 v10, $0x28;
	v6 =	vnsel vm2, $0x0, v6;
	v8 =	vadd.s32 v8, v57  }
0x12f: {  	v59 =	vld [tilespmem:s18+$0x20];
	vm5 =	vlt.u32 v5, $0x28;
	v8 =	vnsel vm4, $0x0, v8;
	v7 =	vadd.s32 v7, v16  }
0x130: {  	v5 =	vmul.u32 $0xA00, v5;
	v11 =	vsub.s32 v56, v1;
	v7 =	vnsel vm3, $0x0, v7  }
0x131: {  	v15 =	vsub.s32 v15, v1;
	v61 =	vmul.u32 $0xA00, v11;
	[tilespmem:v4+s12+$0x0] =	vst.idx.add.f32.msk vm1, v3  }
0x132: {  	vm6 =	vlt.u32 v15, $0x28;
	v63 =	vadd.s32 v60, v5;
	v4 =	vmul.u32 $0xA00, v15;
	[tilespmem:v12+s12+$0x0] =	vst.idx.add.f32.msk vm0, v3  }
0x133: {  	v62 =	vadd.s32 v58, v61;
	vm1 =	vlt.u32 v11, $0x28;
	vm0 =	vmmov vm5;
	[tilespmem:v6+s12+$0x0] =	vst.idx.add.f32.msk vm2, v3  }
0x134: {  	vm1 =	vmmov vm1;
	vm2 =	vmmov vm6;
	v6 =	vadd.s32 v59, v4;
	[tilespmem:v8+s12+$0x0] =	vst.idx.add.f32.msk vm4, v3  }
0x135: {  	s20 =	simm.s32 $0x2140;
	s19 =	simm.s32 $0x0;
	v4 =	vnsel vm1, $0x0, v62;
	v5 =	vnsel vm2, $0x0, v6;
	v6 =	vnsel vm0, $0x0, v63;
	[tilespmem:v7+s12+$0x0] =	vst.idx.add.f32.msk vm3, v3  }
.LBB2_39:
0x136: {  	v7 =	vld [tilespmem:s20+$0x30];
	s19 =	sadd.s32 $0x8, s19  }
0x137: {  	v8 =	vld [tilespmem:s20+$0xFFFFFFC0];
	p0 =	slt.u32 s19, $0xF8  }
0x138: {  	s18 =	sadd.s32 $0x100, s18;
	v9 =	vld [tilespmem:s20+$0xFFFFFFD0]  }
0x139: {  	v10 =	vld [tilespmem:s18+$0x30]  }
0x13a: {  	v11 =	vld [tilespmem:s20+$0xFFFFFFE0]  }
0x13b: {  	v12 =	vld [tilespmem:s20+$0xFFFFFFF0];
	v7 =	vsub.s32 v7, v1  }
0x13c: {  	v8 =	vsub.s32 v8, v1;
	v13 =	vld [tilespmem:s20+$0x0];
	v14 =	vmul.u32 $0xA00, v7  }
0x13d: {  	vm3 =	vlt.u32 v8, $0x28;
	v8 =	vmul.u32 $0xA00, v8;
	v9 =	vsub.s32 v9, v1;
	v15 =	vld [tilespmem:s20+$0x10]  }
0x13e: {  	vm8 =	vlt.u32 v7, $0x28;
	v16 =	vmul.u32 $0xA00, v9;
	v17 =	vld [tilespmem:s20+$0x20];
	v7 =	vadd.s32 v10, v14  }
0x13f: {  	vm4 =	vlt.u32 v9, $0x28;
	v10 =	vld [tilespmem:s18+$0xFFFFFFD0];
	v9 =	vsub.s32 v11, v1;
	v7 =	vnsel vm8, $0x0, v7  }
0x140: {  	v11 =	vld [tilespmem:s18+$0xFFFFFFE0];
	vm5 =	vlt.u32 v9, $0x28;
	v9 =	vmul.u32 $0xA00, v9;
	v12 =	vsub.s32 v12, v1  }
0x141: {  	v14 =	vld [tilespmem:s18+$0xFFFFFFF0];
	vm6 =	vlt.u32 v12, $0x28;
	v12 =	vmul.u32 $0xA00, v12;
	v13 =	vsub.s32 v13, v1  }
0x142: {  	v18 =	vld [tilespmem:s18+$0x0];
	vm7 =	vlt.u32 v13, $0x28;
	v13 =	vmul.u32 $0xA00, v13;
	v15 =	vsub.s32 v15, v1  }
0x143: {  	v19 =	vld [tilespmem:s18+$0x10];
	vm9 =	vlt.u32 v15, $0x28;
	v15 =	vmul.u32 $0xA00, v15;
	v17 =	vsub.s32 v17, v1  }
0x144: {  	v10 =	vadd.s32 v10, v16;
	vm10 =	vlt.u32 v17, $0x28;
	v16 =	vmul.u32 $0xA00, v17;
	[tilespmem:v7+s12+$0x0] =	vst.idx.add.f32.msk vm8, v3  }
0x145: {  	v7 =	vnsel vm4, $0x0, v10;
	v9 =	vadd.s32 v11, v9;
	v10 =	vld [tilespmem:s18+$0x20]  }
0x146: {  	v11 =	vld [tilespmem:s18+$0xFFFFFFC0];
	v9 =	vnsel vm5, $0x0, v9;
	v12 =	vadd.s32 v14, v12  }
0x147: {  	v12 =	vnsel vm6, $0x0, v12;
	v13 =	vadd.s32 v18, v13;
	[tilespmem:v6+s12+$0x0] =	vst.idx.add.f32.msk vm0, v3;
	vm0 =	vmmov vm3  }
0x148: {  	v13 =	vnsel vm7, $0x0, v13;
	v6 =	vadd.s32 v19, v15;
	[tilespmem:v4+s12+$0x0] =	vst.idx.add.f32.msk vm1, v3;
	vm1 =	vmmov vm9  }
.Ltmp22:
0x149: {  	v4 =	vnsel vm1, $0x0, v6;
	[tilespmem:v5+s12+$0x0] =	vst.idx.add.f32.msk vm2, v3;
	vm2 =	vmmov vm10;
	(pc) =	sbr.rel @p0 .LBB2_39-.Ltmp22, $4  }
0x14a: {  	[tilespmem:v7+s12+$0x0] =	vst.idx.add.f32.msk vm4, v3;
	v5 =	vadd.s32 v10, v16  }
0x14b: {  	v6 =	vadd.s32 v11, v8;
	[tilespmem:v9+s12+$0x0] =	vst.idx.add.f32.msk vm5, v3;
	v5 =	vnsel vm2, $0x0, v5  }
0x14c: {  	v6 =	vnsel vm0, $0x0, v6;
	[tilespmem:v12+s12+$0x0] =	vst.idx.add.f32.msk vm6, v3  }
0x14d: {  	s20 =	sadd.s32 $0x100, s20;
	[tilespmem:v13+s12+$0x0] =	vst.idx.add.f32.msk vm7, v3  }
0x14e: {  	_ =	sdelay $0x1  }
0x14f: {  	p0 =	seq.s32 s17, $0x13  }
.Ltmp23:
0x150: {  	_ = 	snop;
	(pc) =	sbr.rel @p0 .LBB2_46-.Ltmp23, $4  }
0x151: {  	_ = 	snop  }
0x152: {  	[tilespmem:v6+s12+$0x0] =	vst.idx.add.f32.msk vm0, v3  }
0x153: {  	[tilespmem:v4+s12+$0x0] =	vst.idx.add.f32.msk vm1, v3  }
0x154: {  	[tilespmem:v5+s12+$0x0] =	vst.idx.add.f32.msk vm2, v3;
	s18 =	sshll.u32 s17, $0xA  }
0x155: {  	s19 =	sadd.s32 $0x400, s18  }
0x156: {  	s21 =	simm.s32 $0x0;
	s20 =	sadd.s32 s4, s19  }
0x157: {  	s22 =	simm.s32 $0x10;
	s23 =	simm.s32 $0x100;
	s24 =	sadd.s32 $0x0, s20  }
.LBB2_42:
0x158: {  	[tilespmem:s21], [sflag:$0x1] =	stream.linear.gather [hbm4b:s24+s3], $0x80, $0x38;
	[tilespmem:$0x1D000] =	vst v63  }
0x159: {  	s24 =	smov.u32 s22;
	s21 =	smov.u32 s23;
	p1 =	sne.s32 s22, $0x1F0  }
.Ltmp24:
0x15a: {  	s22 =	sadd.s32 $0x10, s22;
	(pc) =	sbr.rel @p1 .LBB2_42-.Ltmp24, $2  }
0x15b: {  	_ =	sdelay $0x2  }
0x15c: {  	s23 =	sadd.s32 $0x100, s23;
	s24 =	sadd.s32 s24, s20  }
0x15d: {  	[tilespmem:s21], [sflag:$0x1] =	stream.linear.gather [hbm4b:s24+s3], $0x80, $0x38;
	[tilespmem:$0x1D000] =	vst v63  }
0x15e: {  	s19 =	sadd.s32 s2, s19;
	s20 =	simm.s32 $0x2000  }
0x15f: {  	s21 =	simm.s32 $0x10;
	s22 =	simm.s32 $0x2100;
	s23 =	sadd.s32 $0x0, s19  }
.LBB2_44:
0x160: {  	[tilespmem:s20], [sflag:$0x3] =	stream.linear.gather [hbm4b:s23+s3], $0x80, $0x38;
	[tilespmem:$0x1D000] =	vst v63  }
0x161: {  	s23 =	smov.u32 s21;
	s20 =	smov.u32 s22;
	p1 =	sne.s32 s21, $0x1F0  }
.Ltmp25:
0x162: {  	s21 =	sadd.s32 $0x10, s21;
	(pc) =	sbr.rel @p1 .LBB2_44-.Ltmp25, $2  }
0x163: {  	_ =	sdelay $0x2  }
0x164: {  	s22 =	sadd.s32 $0x100, s22;
	s23 =	sadd.s32 s23, s19  }
0x165: {  	[tilespmem:s20], [sflag:$0x3] =	stream.linear.gather [hbm4b:s23+s3], $0x80, $0x38;
	[tilespmem:$0x1D000] =	vst v63  }
.LBB2_46:
0x166: {  	_ =	swait.ge [sflag:s13], $0x1000  }
0x167: {  	[sflag:s13] =	ssyncset.done $0x0  }
0x168: {  	[sflag:s13] =	ssyncadd.s32 $0xFFFFF000  }
0x169: {  	_ =	swait.ge [sflag:s14], $0x1000  }
0x16a: {  	[sflag:s14] =	ssyncset.done $0x0  }
0x16b: {  	s20 =	simm.s32 $0x20F0;
	[sflag:s14] =	ssyncadd.s32 $0xFFFFF000  }
0x16c: {  	v4 =	vld [tilespmem:s20+$0x0]  }
0x16d: {  	v5 =	vld [tilespmem:s20+$0xFFFFFF90]  }
0x16e: {  	s19 =	simm.s32 $0xF0;
	v6 =	vld [tilespmem:s20+$0xFFFFFFA0]  }
0x16f: {  	v7 =	vld [tilespmem:s19+$0x0]  }
0x170: {  	v9 =	vld [tilespmem:s20+$0xFFFFFFC0]  }
0x171: {  	v8 =	vld [tilespmem:s20+$0xFFFFFFB0]  }
0x172: {  	v10 =	vld [tilespmem:s20+$0xFFFFFFD0];
	_ =	sdelay $0x1  }
0x173: {  	v12 =	vld [tilespmem:s19+$0xFFFFFFA0];
	v4 =	vsub.s32 v4, v1;
	v5 =	vsub.s32 v5, v1  }
0x174: {  	v13 =	vld [tilespmem:s19+$0xFFFFFFB0];
	v6 =	vsub.s32 v6, v1;
	v9 =	vsub.s32 v9, v1;
	v11 =	vmul.u32 $0xA00, v4  }
0x175: {  	v14 =	vmul.u32 $0xA00, v6;
	vm0 =	vlt.u32 v6, $0x28;
	v6 =	vsub.s32 v8, v1;
	v8 =	vld [tilespmem:s19+$0xFFFFFFD0]  }
0x176: {  	v10 =	vsub.s32 v10, v1;
	vm1 =	vlt.u32 v4, $0x28;
	v4 =	vadd.s32 v7, v11;
	v7 =	vld [tilespmem:s19+$0xFFFFFFC0]  }
0x177: {  	v56 =	vld [tilespmem:s20+$0xFFFFFFE0];
	v16 =	vmul.u32 $0xA00, v9;
	vm2 =	vlt.u32 v6, $0x28;
	v6 =	vmul.u32 $0xA00, v6  }
0x178: {  	v15 =	vld [tilespmem:s20+$0xFFFFFFF0];
	v57 =	vmul.u32 $0xA00, v10;
	v12 =	vadd.s32 v12, v14;
	v4 =	vnsel vm1, $0x0, v4  }
0x179: {  	v60 =	vld [tilespmem:s19+$0xFFFFFF90];
	vm3 =	vlt.u32 v9, $0x28;
	v6 =	vadd.s32 v13, v6;
	v12 =	vnsel vm0, $0x0, v12  }
0x17a: {  	v58 =	vld [tilespmem:s19+$0xFFFFFFE0];
	vm4 =	vlt.u32 v10, $0x28;
	v6 =	vnsel vm2, $0x0, v6;
	v8 =	vadd.s32 v8, v57  }
0x17b: {  	v59 =	vld [tilespmem:s19+$0xFFFFFFF0];
	vm5 =	vlt.u32 v5, $0x28;
	v8 =	vnsel vm4, $0x0, v8;
	v7 =	vadd.s32 v7, v16  }
0x17c: {  	v5 =	vmul.u32 $0xA00, v5;
	v11 =	vsub.s32 v56, v1;
	v7 =	vnsel vm3, $0x0, v7  }
0x17d: {  	v15 =	vsub.s32 v15, v1;
	v61 =	vmul.u32 $0xA00, v11;
	[tilespmem:v4+s12+$0x0] =	vst.idx.add.f32.msk vm1, v3  }
0x17e: {  	vm6 =	vlt.u32 v15, $0x28;
	v63 =	vadd.s32 v60, v5;
	v4 =	vmul.u32 $0xA00, v15;
	[tilespmem:v12+s12+$0x0] =	vst.idx.add.f32.msk vm0, v3  }
0x17f: {  	v62 =	vadd.s32 v58, v61;
	vm1 =	vlt.u32 v11, $0x28;
	vm0 =	vmmov vm5;
	[tilespmem:v6+s12+$0x0] =	vst.idx.add.f32.msk vm2, v3  }
0x180: {  	vm1 =	vmmov vm1;
	vm2 =	vmmov vm6;
	v6 =	vadd.s32 v59, v4;
	[tilespmem:v8+s12+$0x0] =	vst.idx.add.f32.msk vm4, v3  }
0x181: {  	s21 =	simm.s32 $0x21F0;
	s20 =	simm.s32 $0x0;
	v4 =	vnsel vm1, $0x0, v62;
	v5 =	vnsel vm2, $0x0, v6;
	v6 =	vnsel vm0, $0x0, v63;
	[tilespmem:v7+s12+$0x0] =	vst.idx.add.f32.msk vm3, v3  }
.LBB2_47:
0x182: {  	v7 =	vld [tilespmem:s21+$0x0];
	s20 =	sadd.s32 $0x8, s20  }
0x183: {  	v8 =	vld [tilespmem:s21+$0xFFFFFF90];
	p1 =	slt.u32 s20, $0xF8  }
0x184: {  	s19 =	sadd.s32 $0x100, s19;
	v9 =	vld [tilespmem:s21+$0xFFFFFFA0]  }
0x185: {  	v10 =	vld [tilespmem:s19+$0x0]  }
0x186: {  	v11 =	vld [tilespmem:s21+$0xFFFFFFB0]  }
0x187: {  	v12 =	vld [tilespmem:s21+$0xFFFFFFC0];
	v7 =	vsub.s32 v7, v1  }
0x188: {  	v8 =	vsub.s32 v8, v1;
	v13 =	vld [tilespmem:s21+$0xFFFFFFD0];
	v14 =	vmul.u32 $0xA00, v7  }
0x189: {  	vm3 =	vlt.u32 v8, $0x28;
	v8 =	vmul.u32 $0xA00, v8;
	v9 =	vsub.s32 v9, v1;
	v15 =	vld [tilespmem:s21+$0xFFFFFFE0]  }
0x18a: {  	vm8 =	vlt.u32 v7, $0x28;
	v16 =	vmul.u32 $0xA00, v9;
	v17 =	vld [tilespmem:s21+$0xFFFFFFF0];
	v7 =	vadd.s32 v10, v14  }
0x18b: {  	vm4 =	vlt.u32 v9, $0x28;
	v10 =	vld [tilespmem:s19+$0xFFFFFFA0];
	v9 =	vsub.s32 v11, v1;
	v7 =	vnsel vm8, $0x0, v7  }
0x18c: {  	v11 =	vld [tilespmem:s19+$0xFFFFFFB0];
	vm5 =	vlt.u32 v9, $0x28;
	v9 =	vmul.u32 $0xA00, v9;
	v12 =	vsub.s32 v12, v1  }
0x18d: {  	v14 =	vld [tilespmem:s19+$0xFFFFFFC0];
	vm6 =	vlt.u32 v12, $0x28;
	v12 =	vmul.u32 $0xA00, v12;
	v13 =	vsub.s32 v13, v1  }
0x18e: {  	v18 =	vld [tilespmem:s19+$0xFFFFFFD0];
	vm7 =	vlt.u32 v13, $0x28;
	v13 =	vmul.u32 $0xA00, v13;
	v15 =	vsub.s32 v15, v1  }
0x18f: {  	v19 =	vld [tilespmem:s19+$0xFFFFFFE0];
	vm9 =	vlt.u32 v15, $0x28;
	v15 =	vmul.u32 $0xA00, v15;
	v17 =	vsub.s32 v17, v1  }
0x190: {  	v10 =	vadd.s32 v10, v16;
	vm10 =	vlt.u32 v17, $0x28;
	v16 =	vmul.u32 $0xA00, v17;
	[tilespmem:v7+s12+$0x0] =	vst.idx.add.f32.msk vm8, v3  }
0x191: {  	v7 =	vnsel vm4, $0x0, v10;
	v9 =	vadd.s32 v11, v9;
	v10 =	vld [tilespmem:s19+$0xFFFFFFF0]  }
0x192: {  	v11 =	vld [tilespmem:s19+$0xFFFFFF90];
	v9 =	vnsel vm5, $0x0, v9;
	v12 =	vadd.s32 v14, v12  }
0x193: {  	v12 =	vnsel vm6, $0x0, v12;
	v13 =	vadd.s32 v18, v13;
	[tilespmem:v6+s12+$0x0] =	vst.idx.add.f32.msk vm0, v3;
	vm0 =	vmmov vm3  }
0x194: {  	v13 =	vnsel vm7, $0x0, v13;
	v6 =	vadd.s32 v19, v15;
	[tilespmem:v4+s12+$0x0] =	vst.idx.add.f32.msk vm1, v3;
	vm1 =	vmmov vm9  }
.Ltmp26:
0x195: {  	v4 =	vnsel vm1, $0x0, v6;
	[tilespmem:v5+s12+$0x0] =	vst.idx.add.f32.msk vm2, v3;
	vm2 =	vmmov vm10;
	(pc) =	sbr.rel @p1 .LBB2_47-.Ltmp26, $4  }
0x196: {  	[tilespmem:v7+s12+$0x0] =	vst.idx.add.f32.msk vm4, v3;
	v5 =	vadd.s32 v10, v16  }
0x197: {  	v6 =	vadd.s32 v11, v8;
	[tilespmem:v9+s12+$0x0] =	vst.idx.add.f32.msk vm5, v3;
	v5 =	vnsel vm2, $0x0, v5  }
0x198: {  	v6 =	vnsel vm0, $0x0, v6;
	[tilespmem:v12+s12+$0x0] =	vst.idx.add.f32.msk vm6, v3  }
0x199: {  	s21 =	sadd.s32 $0x100, s21;
	[tilespmem:v13+s12+$0x0] =	vst.idx.add.f32.msk vm7, v3  }
0x19a: {  	_ =	sdelay $0x2  }
.Ltmp27:
0x19b: {  	_ = 	snop;
	(pc) =	sbr.rel @!p0 .LBB2_49-.Ltmp27, $4  }
0x19c: {  	_ = 	snop  }
0x19d: {  	[tilespmem:v6+s12+$0x0] =	vst.idx.add.f32.msk vm0, v3  }
0x19e: {  	[tilespmem:v4+s12+$0x0] =	vst.idx.add.f32.msk vm1, v3  }
0x19f: {  	[tilespmem:v5+s12+$0x0] =	vst.idx.add.f32.msk vm2, v3  }
0x1a0: {  	s16 =	sadd.s32 $0x1, s16  }
0x1a1: {  	p0 =	sne.s32 s16, s9  }
.Ltmp28:
0x1a2: {  	_ = 	snop;
	(pc) =	sbr.rel @p0 .LBB2_1-.Ltmp28, $4  }
0x1a3: {  	[hbm4b:s8+s3] =	stream.linear.scatter [tilespmem:s12], [sflag:$0x5], $0x19000, $0x38;
	[tilespmem:$0x1D000] =	vst v63  }
0x1a4: {  	_ =	swait.ge [sflag:s15], $0x19000  }
0x1a5: {  	[sflag:s15] =	ssyncset.done $0x0  }
0x1a6: {  	[sflag:s15] =	ssyncadd.s32 $0xFFFE7000  }
0x1a7: {  	_ =	sfence.sel $0x180000  }
0x1a8: {  	[bflag:$0x0] =	sbarrier.arrive $0xFFFF  }
0x1a9: {  	p0 =	sne.s32 s0, $0x0;
	_ =	strace $0x90000047  }
0x1aa: {  	s0 =	sadd.s32 @!p0 $0x100000, s1;
	[bflag:$0x2] =	sbarrier.arrive $0xFFFF  }
0x1ab: {  	[sflag:s0] =	ssyncadd.tile.s32 @!p0 $0x1;
	_ =	shalt  }
.Lfunc_end2:
_tile_overlayer_lowered:
.L_overlay_start_2:
0x1ac: {  	(tag) =	ssettag $0x2  }
0x1ad: {  	s0 =	rddreg [dreg:$0x0];
	s2 =	stileid.u32  }
0x1ae: {  	s1 =	rddreg [dreg:$0x1];
	p0 =	sne.s32 s2, $0x0  }
0x1af: {  	s3 =	rddreg [dreg:$0x2];
	[bflag:$0x3] =	sbarrier.arrive $0xFFFF;
	s2 =	simm.s32 @!p0 $0x1C05  }
0x1b0: {  	[timem:s3], [sflag:s2] =	dma.local @!p0 [hbm:s0], s1  }
0x1b1: {  	s0 =	simm.s32 @!p0 $0x5  }
0x1b2: {  	_ =	swait.ge @!p0 [sflag:s0], s1  }
0x1b3: {  	s1 =	ssub.s32 @!p0 $0x0, s1;
	[sflag:s0] =	ssyncset.done @!p0 $0x0  }
0x1b4: {  	[sflag:s0] =	ssyncadd.s32 @!p0 s1  }
0x1b5: {  	[bflag:$0x3] =	sbarrier.arrive $0xFFFF  }
0x1b6: {  	_ =	shalt  }

</sc_bundles>
